<compile_context>
chip_gen: v7x
topology: tpu7x:2x2x1
jax: 0.10.2.dev20260603
libtpu: 0.0.44.dev20260713+nightly
codegen_flags: <defaults>
</compile_context>

<pallas_src>
import jax
import jax.numpy as jnp
from jax import lax
from jax.experimental import pallas as pl
from jax.experimental.pallas import tpu as pltpu
from jax.experimental.pallas import tpu_sc as plsc

NC = 2
NS = 16
NW = NC * NS
CHUNK = 128


def _dense1(x, Wc, b1):
    N, D = x.shape
    H = Wc.shape[1] // 2

    def body(x_ref, w_ref, b_ref, y1_ref, r1_ref):
        y = jnp.dot(x_ref[...], w_ref[...], preferred_element_type=jnp.float32)
        y1_ref[...] = y[:, :H]
        r1_ref[...] = y[:, H:] + b_ref[...]

    return pl.pallas_call(
        body,
        out_shape=(jax.ShapeDtypeStruct((N, H), jnp.float32),
                   jax.ShapeDtypeStruct((N, H), jnp.float32)),
    )(x, Wc, b1.reshape(1, H))


def _dense2(p0, p1, c0, c1, r1, W2, b2):
    N, H = p0.shape

    def body(p0_ref, p1_ref, c0_ref, c1_ref, r1_ref, w_ref, b2_ref,
             y2p_ref, r2_ref, cnt_ref):
        cnt = jnp.maximum(c0_ref[...] + c1_ref[...], 1.0)[:, 0:1]
        h = jnp.maximum((p0_ref[...] + p1_ref[...]) / cnt + r1_ref[...], 0.0)
        y = jnp.dot(h, w_ref[...], preferred_element_type=jnp.float32)
        y2p_ref[...] = jnp.concatenate(
            [y[:, 0:1], jnp.zeros((N, 15), jnp.float32)], axis=1)
        r2_ref[...] = y[:, 1:2] + b2_ref[...]
        cnt_ref[...] = cnt

    return pl.pallas_call(
        body,
        out_shape=(jax.ShapeDtypeStruct((N, 16), jnp.float32),
                   jax.ShapeDtypeStruct((N, 1), jnp.float32),
                   jax.ShapeDtypeStruct((N, 1), jnp.float32)),
    )(p0, p1, c0, c1, r1, W2, b2.reshape(1, 1))


def _final(q0, q1, cnt, r2):
    N = q0.shape[0]

    def body(q0_ref, q1_ref, cnt_ref, r2_ref, o_ref):
        s = (q0_ref[...] + q1_ref[...])[:, 0:1]
        o_ref[...] = s / cnt_ref[...] + r2_ref[...]

    return pl.pallas_call(
        body,
        out_shape=jax.ShapeDtypeStruct((N, 1), jnp.float32),
    )(q0, q1, cnt, r2)


def _fill(ref, rows, width, value):
    v = jnp.full((16,), value, jnp.float32)

    def fi(i, carry):
        for jj in range(width // 16):
            ref[i, pl.ds(jj * 16, 16)] = v
        return carry

    lax.fori_loop(0, rows, fi, 0)


def _segsum_sc(table, srcp, dstp, npad, with_counts):
    _, NCH, _ = srcp.shape
    W = table.shape[1]
    RPT = npad // NS
    mesh = plsc.VectorSubcoreMesh(core_axis_name="c", subcore_axis_name="s")

    z_rows = jnp.zeros((RPT, W), jnp.float32)
    inputs = [table, srcp, dstp, z_rows]
    out_type = [pltpu.HBM((NC, npad, W), jnp.float32)]
    scratch = [
        pltpu.VMEM((NCH, CHUNK), jnp.int32),
        pltpu.VMEM((NCH, CHUNK), jnp.int32),
        pltpu.VMEM((CHUNK, W), jnp.float32),
        pltpu.VMEM((RPT, W), jnp.float32),
        pltpu.VMEM_SHARED((npad, W), jnp.float32),
        pltpu.SemaphoreType.DMA,
    ]
    if with_counts:
        out_type.append(pltpu.HBM((NC, npad, 16), jnp.float32))
        inputs += [jnp.ones((CHUNK, 16), jnp.float32),
                   jnp.zeros((RPT, 16), jnp.float32)]
        scratch += [
            pltpu.VMEM((CHUNK, 16), jnp.float32),
            pltpu.VMEM((RPT, 16), jnp.float32),
            pltpu.VMEM_SHARED((npad, 16), jnp.float32),
        ]

    def body(*refs):
        if with_counts:
            (tab_h, srcp_h, dstp_h, z_h, ones_h, zc_h, part_o, cnt_o,
             src_v, dst_v, rows_v, stage_v, acc_s, sem0,
             ones_v, cstage_v, cacc_s) = refs
        else:
            (tab_h, srcp_h, dstp_h, z_h, part_o,
             src_v, dst_v, rows_v, stage_v, acc_s, sem0) = refs
        c = lax.axis_index("c")
        s = lax.axis_index("s")
        w = c * NS + s
        r0 = s * RPT
        pltpu.sync_copy(z_h, stage_v)
        pltpu.sync_copy(stage_v, acc_s.at[pl.ds(r0, RPT)])
        if with_counts:
            pltpu.sync_copy(ones_h, ones_v)
            pltpu.sync_copy(zc_h, cstage_v)
            pltpu.sync_copy(cstage_v, cacc_s.at[pl.ds(r0, RPT)])
        pltpu.sync_copy(srcp_h.at[w], src_v)
        pltpu.sync_copy(dstp_h.at[w], dst_v)
        plsc.subcore_barrier()

        def step(j, carry):
            pltpu.async_copy(tab_h.at[src_v.at[j]], rows_v, sem0).wait()
            pltpu.sync_copy(rows_v, acc_s.at[dst_v.at[j]], add=True)
            if with_counts:
                pltpu.sync_copy(ones_v, cacc_s.at[dst_v.at[j]], add=True)
            return carry

        lax.fori_loop(0, NCH, step, 0)
        plsc.subcore_barrier()
        pltpu.sync_copy(acc_s.at[pl.ds(r0, RPT)], stage_v)
        pltpu.sync_copy(stage_v, part_o.at[c, pl.ds(r0, RPT)])
        if with_counts:
            pltpu.sync_copy(cacc_s.at[pl.ds(r0, RPT)], cstage_v)
            pltpu.sync_copy(cstage_v, cnt_o.at[c, pl.ds(r0, RPT)])

    fn = pl.kernel(body, out_type=tuple(out_type), mesh=mesh,
                   scratch_types=tuple(scratch),
                   compiler_params=pltpu.CompilerParams(
                       use_tc_tiling_on_sc=False,
                       disable_bounds_checks=True))
    return fn(*inputs)


def kernel(x, e, W1l, W1r, b1, W2l, W2r, b2):
    N, D = x.shape
    E = e.shape[1]

    nch = -(-E // (NW * CHUNK))
    e_pad = NW * nch * CHUNK
    rpt = -(-(N + 48) // NS)
    rpt = -(-rpt // 2) * 2
    npad = rpt * NS

    src = e[0].astype(jnp.int32)
    dst = e[1].astype(jnp.int32)
    src = jnp.pad(src, (0, e_pad - E)).reshape(NW, nch, CHUNK)
    dst = jnp.pad(dst, (0, e_pad - E),
                  constant_values=N).reshape(NW, nch, CHUNK)

    Wc = jnp.concatenate([W1l, W1r], axis=1)
    y1, r1 = _dense1(x, Wc, b1)

    part, cnt = _segsum_sc(y1, src, dst, npad, with_counts=True)

    W2 = jnp.concatenate([W2l, W2r], axis=1)
    y2p, r2, cntm = _dense2(part[0, :N], part[1, :N],
                            cnt[0, :N], cnt[1, :N], r1, W2, b2)

    (part2,) = _segsum_sc(y2p, src, dst, npad, with_counts=False)

    return _final(part2[0, :N], part2[1, :N], cntm, r2)

# --- scband reference (transcript-rebuilt; emitter-appended) ---
"""Pipeline reference for scband-sage-base-25804163514761 (READ-ONLY COPY).

The authoritative reference and input builder live on the scoring server;
editing this copy changes nothing except your own understanding.
"""

import jax, jax.numpy as jnp
import numpy as np

N, E, D, H = 10000, 320000, 128, 64

def setup_inputs(seed: int = 0) -> dict:
    key = jax.random.key(seed)
    k1, k2, k3, k4, k5, k6, k7, k8 = jax.random.split(key, 8)
    x = jax.random.normal(k1, (N, D), dtype=jnp.float32)
    e = jax.random.randint(k2, (2, E), 0, N)
    # SAGEConv layer 1: d -> 64 (lin_l on aggregated neighbors w/ bias, lin_r on root, no bias)
    W1l = jax.random.normal(k3, (D, H), dtype=jnp.float32) * (1.0 / np.sqrt(D))
    W1r = jax.random.normal(k4, (D, H), dtype=jnp.float32) * (1.0 / np.sqrt(D))
    b1 = jax.random.normal(k5, (H,), dtype=jnp.float32) * 0.01
    # SAGEConv layer 2: 64 -> 1
    W2l = jax.random.normal(k6, (H, 1), dtype=jnp.float32) * (1.0 / np.sqrt(H))
    W2r = jax.random.normal(k7, (H, 1), dtype=jnp.float32) * (1.0 / np.sqrt(H))
    b2 = jax.random.normal(k8, (1,), dtype=jnp.float32) * 0.01
    return {"x": x, "e": e, "W1l": W1l, "W1r": W1r, "b1": b1, "W2l": W2l, "W2r": W2r, "b2": b2}

def _sage_conv(x, e, Wl, Wr, b):
    # PyG SAGEConv with mean aggregation: out = mean_{j in N(i)} x_j @ Wl + x_i @ Wr + b
    src = e[0]
    dst = e[1]
    n = x.shape[0]
    msg = jnp.take(x, src, axis=0)
    summed = jax.ops.segment_sum(msg, dst, num_segments=n)
    cnt = jax.ops.segment_sum(jnp.ones((e.shape[1], 1), dtype=x.dtype), dst, num_segments=n)
    agg = summed / jnp.maximum(cnt, 1.0)
    return agg @ Wl + x @ Wr + b

def reference(x, e, W1l, W1r, b1, W2l, W2r, b2):
    h = jax.nn.relu(_sage_conv(x, e, W1l, W1r, b1))
    out = _sage_conv(h, e, W2l, W2r, b2)
    return out

if __name__ == "__main__":
    import jax
    _d = setup_inputs()
    print(jax.jit(kernel)(*tuple(_d.values())))

</pallas_src>

<mosaic_0001>
#map = affine_map<(d0, d1) -> (0, 0)>
#map1 = affine_map<(d0, d1) -> (0, 0, 0)>
module attributes {stable_mosaic.version = 14 : i64} {
  func.func @body(%arg0: i32, %arg1: i32, %arg2: memref<10000x64xf32, #tpu.memory_space<hbm>>, %arg3: memref<32x79x128xi32, #tpu.memory_space<hbm>>, %arg4: memref<32x79x128xi32, #tpu.memory_space<hbm>>, %arg5: memref<628x64xf32, #tpu.memory_space<hbm>>, %arg6: memref<128x16xf32, #tpu.memory_space<hbm>>, %arg7: memref<628x16xf32, #tpu.memory_space<hbm>>, %arg8: memref<2x10048x64xf32, #tpu.memory_space<hbm>>, %arg9: memref<2x10048x16xf32, #tpu.memory_space<hbm>>, %arg10: memref<79x128xi32, #tpu.memory_space<vmem>>, %arg11: memref<79x128xi32, #tpu.memory_space<vmem>>, %arg12: memref<128x64xf32, #tpu.memory_space<vmem>>, %arg13: memref<628x64xf32, #tpu.memory_space<vmem>>, %arg14: memref<10048x64xf32, #tpu.memory_space<vmem_shared>>, %arg15: memref<!tpu.dma_semaphore, #tpu.memory_space<semaphore_mem>>, %arg16: memref<128x16xf32, #tpu.memory_space<vmem>>, %arg17: memref<628x16xf32, #tpu.memory_space<vmem>>, %arg18: memref<10048x16xf32, #tpu.memory_space<vmem_shared>>) attributes {dimension_semantics = [#tpu.dimension_semantics<core_parallel>, #tpu.dimension_semantics<subcore_parallel>], iteration_bounds = array<i64: 2, 16>, scalar_prefetch = 0 : i64, scratch_operands = 9 : i64, tpu.core_type = #tpu.core_type<sc_vector_subcore>, window_params = [{transform_indices = #map}, {transform_indices = #map1}, {transform_indices = #map1}, {transform_indices = #map}, {transform_indices = #map}, {transform_indices = #map}, {transform_indices = #map1}, {transform_indices = #map1}]} {
    %mul3A = arith.constant 16 : i32
    %mul3A_0 = arith.muli %arg0, %mul3A : i32
    %add3A = arith.addi %mul3A_0, %arg1 : i32
    %mul3A_1 = arith.constant 628 : i32
    %mul3A_2 = arith.muli %arg1, %mul3A_1 : i32
    "tpu.region"() ({
      %run_scoped3A = tpu.sem_alloc : memref<!tpu.dma_semaphore, #tpu.memory_space<semaphore_mem>>
      tpu.enqueue_dma source(%arg5 : memref<628x64xf32, #tpu.memory_space<hbm>>) target(%arg13 : memref<628x64xf32, #tpu.memory_space<vmem>>) target_semaphore(%run_scoped3A : memref<!tpu.dma_semaphore, #tpu.memory_space<semaphore_mem>>)
      tpu.wait_dma2 semaphore(%run_scoped3A : memref<!tpu.dma_semaphore, #tpu.memory_space<semaphore_mem>>) src(%arg5 : memref<628x64xf32, #tpu.memory_space<hbm>>) dst(%arg13 : memref<628x64xf32, #tpu.memory_space<vmem>>)
      tpu.yield
    }) : () -> ()
    "tpu.region"() ({
      %run_scoped3A = tpu.sem_alloc : memref<!tpu.dma_semaphore, #tpu.memory_space<semaphore_mem>>
      %dma_start3A = arith.constant 0 : i32
      %dma_start3A_9 = tpu.memref_slice %arg14[%mul3A_2, %dma_start3A] : memref<10048x64xf32, #tpu.memory_space<vmem_shared>> -> memref<628x64xf32, #tpu.memory_space<vmem_shared>>
      %dma_start3A_10 = arith.constant 0 : i32
      %dma_start3A_11 = tpu.memref_slice %arg14[%mul3A_2, %dma_start3A_10] : memref<10048x64xf32, #tpu.memory_space<vmem_shared>> -> memref<628x64xf32, #tpu.memory_space<vmem_shared>>
      tpu.enqueue_dma source(%arg13 : memref<628x64xf32, #tpu.memory_space<vmem>>) target(%dma_start3A_11 : memref<628x64xf32, #tpu.memory_space<vmem_shared>>) target_semaphore(%run_scoped3A : memref<!tpu.dma_semaphore, #tpu.memory_space<semaphore_mem>>)
      %dma_wait3A = arith.constant 0 : i32
      %dma_wait3A_12 = tpu.memref_slice %arg14[%mul3A_2, %dma_wait3A] : memref<10048x64xf32, #tpu.memory_space<vmem_shared>> -> memref<628x64xf32, #tpu.memory_space<vmem_shared>>
      %dma_wait3A_13 = arith.constant 0 : i32
      %dma_wait3A_14 = tpu.memref_slice %arg14[%mul3A_2, %dma_wait3A_13] : memref<10048x64xf32, #tpu.memory_space<vmem_shared>> -> memref<628x64xf32, #tpu.memory_space<vmem_shared>>
      tpu.wait_dma2 semaphore(%run_scoped3A : memref<!tpu.dma_semaphore, #tpu.memory_space<semaphore_mem>>) src(%arg13 : memref<628x64xf32, #tpu.memory_space<vmem>>) dst(%dma_wait3A_14 : memref<628x64xf32, #tpu.memory_space<vmem_shared>>)
      tpu.yield
    }) : () -> ()
    "tpu.region"() ({
      %run_scoped3A = tpu.sem_alloc : memref<!tpu.dma_semaphore, #tpu.memory_space<semaphore_mem>>
      tpu.enqueue_dma source(%arg6 : memref<128x16xf32, #tpu.memory_space<hbm>>) target(%arg16 : memref<128x16xf32, #tpu.memory_space<vmem>>) target_semaphore(%run_scoped3A : memref<!tpu.dma_semaphore, #tpu.memory_space<semaphore_mem>>)
      tpu.wait_dma2 semaphore(%run_scoped3A : memref<!tpu.dma_semaphore, #tpu.memory_space<semaphore_mem>>) src(%arg6 : memref<128x16xf32, #tpu.memory_space<hbm>>) dst(%arg16 : memref<128x16xf32, #tpu.memory_space<vmem>>)
      tpu.yield
    }) : () -> ()
    "tpu.region"() ({
      %run_scoped3A = tpu.sem_alloc : memref<!tpu.dma_semaphore, #tpu.memory_space<semaphore_mem>>
      tpu.enqueue_dma source(%arg7 : memref<628x16xf32, #tpu.memory_space<hbm>>) target(%arg17 : memref<628x16xf32, #tpu.memory_space<vmem>>) target_semaphore(%run_scoped3A : memref<!tpu.dma_semaphore, #tpu.memory_space<semaphore_mem>>)
      tpu.wait_dma2 semaphore(%run_scoped3A : memref<!tpu.dma_semaphore, #tpu.memory_space<semaphore_mem>>) src(%arg7 : memref<628x16xf32, #tpu.memory_space<hbm>>) dst(%arg17 : memref<628x16xf32, #tpu.memory_space<vmem>>)
      tpu.yield
    }) : () -> ()
    "tpu.region"() ({
      %run_scoped3A = tpu.sem_alloc : memref<!tpu.dma_semaphore, #tpu.memory_space<semaphore_mem>>
      %dma_start3A = arith.constant 0 : i32
      %dma_start3A_9 = tpu.memref_slice %arg18[%mul3A_2, %dma_start3A] : memref<10048x16xf32, #tpu.memory_space<vmem_shared>> -> memref<628x16xf32, #tpu.memory_space<vmem_shared>>
      %dma_start3A_10 = arith.constant 0 : i32
      %dma_start3A_11 = tpu.memref_slice %arg18[%mul3A_2, %dma_start3A_10] : memref<10048x16xf32, #tpu.memory_space<vmem_shared>> -> memref<628x16xf32, #tpu.memory_space<vmem_shared>>
      tpu.enqueue_dma source(%arg17 : memref<628x16xf32, #tpu.memory_space<vmem>>) target(%dma_start3A_11 : memref<628x16xf32, #tpu.memory_space<vmem_shared>>) target_semaphore(%run_scoped3A : memref<!tpu.dma_semaphore, #tpu.memory_space<semaphore_mem>>)
      %dma_wait3A = arith.constant 0 : i32
      %dma_wait3A_12 = tpu.memref_slice %arg18[%mul3A_2, %dma_wait3A] : memref<10048x16xf32, #tpu.memory_space<vmem_shared>> -> memref<628x16xf32, #tpu.memory_space<vmem_shared>>
      %dma_wait3A_13 = arith.constant 0 : i32
      %dma_wait3A_14 = tpu.memref_slice %arg18[%mul3A_2, %dma_wait3A_13] : memref<10048x16xf32, #tpu.memory_space<vmem_shared>> -> memref<628x16xf32, #tpu.memory_space<vmem_shared>>
      tpu.wait_dma2 semaphore(%run_scoped3A : memref<!tpu.dma_semaphore, #tpu.memory_space<semaphore_mem>>) src(%arg17 : memref<628x16xf32, #tpu.memory_space<vmem>>) dst(%dma_wait3A_14 : memref<628x16xf32, #tpu.memory_space<vmem_shared>>)
      tpu.yield
    }) : () -> ()
    "tpu.region"() ({
      %run_scoped3A = tpu.sem_alloc : memref<!tpu.dma_semaphore, #tpu.memory_space<semaphore_mem>>
      %dma_start3A = arith.constant 0 : i32
      %dma_start3A_9 = arith.constant 0 : i32
      %dma_start3A_10 = tpu.memref_slice %arg3[%add3A, %dma_start3A, %dma_start3A_9] : memref<32x79x128xi32, #tpu.memory_space<hbm>> -> memref<1x79x128xi32, #tpu.memory_space<hbm>>
      %dma_start3A_11 = tpu.memref_squeeze %dma_start3A_10 : memref<1x79x128xi32, #tpu.memory_space<hbm>> -> memref<79x128xi32, #tpu.memory_space<hbm>>
      %dma_start3A_12 = arith.constant 0 : i32
      %dma_start3A_13 = arith.constant 0 : i32
      %dma_start3A_14 = tpu.memref_slice %arg3[%add3A, %dma_start3A_12, %dma_start3A_13] : memref<32x79x128xi32, #tpu.memory_space<hbm>> -> memref<1x79x128xi32, #tpu.memory_space<hbm>>
      %dma_start3A_15 = tpu.memref_squeeze %dma_start3A_14 : memref<1x79x128xi32, #tpu.memory_space<hbm>> -> memref<79x128xi32, #tpu.memory_space<hbm>>
      tpu.enqueue_dma source(%dma_start3A_15 : memref<79x128xi32, #tpu.memory_space<hbm>>) target(%arg10 : memref<79x128xi32, #tpu.memory_space<vmem>>) target_semaphore(%run_scoped3A : memref<!tpu.dma_semaphore, #tpu.memory_space<semaphore_mem>>)
      %dma_wait3A = arith.constant 0 : i32
      %dma_wait3A_16 = arith.constant 0 : i32
      %dma_wait3A_17 = tpu.memref_slice %arg3[%add3A, %dma_wait3A, %dma_wait3A_16] : memref<32x79x128xi32, #tpu.memory_space<hbm>> -> memref<1x79x128xi32, #tpu.memory_space<hbm>>
      %dma_wait3A_18 = tpu.memref_squeeze %dma_wait3A_17 : memref<1x79x128xi32, #tpu.memory_space<hbm>> -> memref<79x128xi32, #tpu.memory_space<hbm>>
      %dma_wait3A_19 = arith.constant 0 : i32
      %dma_wait3A_20 = arith.constant 0 : i32
      %dma_wait3A_21 = tpu.memref_slice %arg3[%add3A, %dma_wait3A_19, %dma_wait3A_20] : memref<32x79x128xi32, #tpu.memory_space<hbm>> -> memref<1x79x128xi32, #tpu.memory_space<hbm>>
      %dma_wait3A_22 = tpu.memref_squeeze %dma_wait3A_21 : memref<1x79x128xi32, #tpu.memory_space<hbm>> -> memref<79x128xi32, #tpu.memory_space<hbm>>
      tpu.wait_dma2 semaphore(%run_scoped3A : memref<!tpu.dma_semaphore, #tpu.memory_space<semaphore_mem>>) src(%dma_wait3A_22 : memref<79x128xi32, #tpu.memory_space<hbm>>) dst(%arg10 : memref<79x128xi32, #tpu.memory_space<vmem>>)
      tpu.yield
    }) : () -> ()
    "tpu.region"() ({
      %run_scoped3A = tpu.sem_alloc : memref<!tpu.dma_semaphore, #tpu.memory_space<semaphore_mem>>
      %dma_start3A = arith.constant 0 : i32
      %dma_start3A_9 = arith.constant 0 : i32
      %dma_start3A_10 = tpu.memref_slice %arg4[%add3A, %dma_start3A, %dma_start3A_9] : memref<32x79x128xi32, #tpu.memory_space<hbm>> -> memref<1x79x128xi32, #tpu.memory_space<hbm>>
      %dma_start3A_11 = tpu.memref_squeeze %dma_start3A_10 : memref<1x79x128xi32, #tpu.memory_space<hbm>> -> memref<79x128xi32, #tpu.memory_space<hbm>>
      %dma_start3A_12 = arith.constant 0 : i32
      %dma_start3A_13 = arith.constant 0 : i32
      %dma_start3A_14 = tpu.memref_slice %arg4[%add3A, %dma_start3A_12, %dma_start3A_13] : memref<32x79x128xi32, #tpu.memory_space<hbm>> -> memref<1x79x128xi32, #tpu.memory_space<hbm>>
      %dma_start3A_15 = tpu.memref_squeeze %dma_start3A_14 : memref<1x79x128xi32, #tpu.memory_space<hbm>> -> memref<79x128xi32, #tpu.memory_space<hbm>>
      tpu.enqueue_dma source(%dma_start3A_15 : memref<79x128xi32, #tpu.memory_space<hbm>>) target(%arg11 : memref<79x128xi32, #tpu.memory_space<vmem>>) target_semaphore(%run_scoped3A : memref<!tpu.dma_semaphore, #tpu.memory_space<semaphore_mem>>)
      %dma_wait3A = arith.constant 0 : i32
      %dma_wait3A_16 = arith.constant 0 : i32
      %dma_wait3A_17 = tpu.memref_slice %arg4[%add3A, %dma_wait3A, %dma_wait3A_16] : memref<32x79x128xi32, #tpu.memory_space<hbm>> -> memref<1x79x128xi32, #tpu.memory_space<hbm>>
      %dma_wait3A_18 = tpu.memref_squeeze %dma_wait3A_17 : memref<1x79x128xi32, #tpu.memory_space<hbm>> -> memref<79x128xi32, #tpu.memory_space<hbm>>
      %dma_wait3A_19 = arith.constant 0 : i32
      %dma_wait3A_20 = arith.constant 0 : i32
      %dma_wait3A_21 = tpu.memref_slice %arg4[%add3A, %dma_wait3A_19, %dma_wait3A_20] : memref<32x79x128xi32, #tpu.memory_space<hbm>> -> memref<1x79x128xi32, #tpu.memory_space<hbm>>
      %dma_wait3A_22 = tpu.memref_squeeze %dma_wait3A_21 : memref<1x79x128xi32, #tpu.memory_space<hbm>> -> memref<79x128xi32, #tpu.memory_space<hbm>>
      tpu.wait_dma2 semaphore(%run_scoped3A : memref<!tpu.dma_semaphore, #tpu.memory_space<semaphore_mem>>) src(%dma_wait3A_22 : memref<79x128xi32, #tpu.memory_space<hbm>>) dst(%arg11 : memref<79x128xi32, #tpu.memory_space<vmem>>)
      tpu.yield
    }) : () -> ()
    %barrier3A = arith.constant 0 : index
    tpu.barrier barrier_id(%barrier3A)
    %scan3A = arith.constant 0 : i32
    %scan3A_3 = arith.constant 0 : i32
    %scan3A_4 = arith.constant 79 : i32
    %scan3A_5 = arith.addi %scan3A_3, %scan3A_4 : i32
    %scan3A_6 = arith.constant 1 : i32
    scf.for %scan3A_9 = %scan3A_3 to %scan3A_5 step %scan3A_6  : i32 {
      %dma_start3A = arith.constant 0 : i32
      %dma_start3A_10 = tpu.memref_slice %arg10[%scan3A_9, %dma_start3A] : memref<79x128xi32, #tpu.memory_space<vmem>> -> memref<1x128xi32, #tpu.memory_space<vmem>>
      %dma_start3A_11 = tpu.memref_squeeze %dma_start3A_10 : memref<1x128xi32, #tpu.memory_space<vmem>> -> memref<128xi32, #tpu.memory_space<vmem>>
      %dma_start3A_12 = arith.constant 0 : i32
      %dma_start3A_13 = arith.constant 0 : i32
      %dma_start3A_14 = tpu.memref_slice %arg2[%dma_start3A_12, %dma_start3A_13] : memref<10000x64xf32, #tpu.memory_space<hbm>> -> memref<10000x64xf32, #tpu.memory_space<hbm>>
      tpu.enqueue_indirect_dma source(%dma_start3A_14 : memref<10000x64xf32, #tpu.memory_space<hbm>>) target(%arg12 : memref<128x64xf32, #tpu.memory_space<vmem>>) offsets(%dma_start3A_11 : memref<128xi32, #tpu.memory_space<vmem>>) semaphore(%arg15 : memref<!tpu.dma_semaphore, #tpu.memory_space<semaphore_mem>>)
      %dma_wait3A = arith.constant 0 : i32
      %dma_wait3A_15 = tpu.memref_slice %arg10[%scan3A_9, %dma_wait3A] : memref<79x128xi32, #tpu.memory_space<vmem>> -> memref<1x128xi32, #tpu.memory_space<vmem>>
      %dma_wait3A_16 = tpu.memref_squeeze %dma_wait3A_15 : memref<1x128xi32, #tpu.memory_space<vmem>> -> memref<128xi32, #tpu.memory_space<vmem>>
      %dma_wait3A_17 = arith.constant 0 : i32
      %dma_wait3A_18 = arith.constant 0 : i32
      %dma_wait3A_19 = tpu.memref_slice %arg2[%dma_wait3A_17, %dma_wait3A_18] : memref<10000x64xf32, #tpu.memory_space<hbm>> -> memref<10000x64xf32, #tpu.memory_space<hbm>>
      tpu.wait_indirect_dma semaphore(%arg15 : memref<!tpu.dma_semaphore, #tpu.memory_space<semaphore_mem>>) src(%dma_wait3A_19 : memref<10000x64xf32, #tpu.memory_space<hbm>>) dst(%arg12 : memref<128x64xf32, #tpu.memory_space<vmem>>)
      "tpu.region"() ({
        %run_scoped3A = tpu.sem_alloc : memref<!tpu.dma_semaphore, #tpu.memory_space<semaphore_mem>>
        %dma_start3A_20 = arith.constant 0 : i32
        %dma_start3A_21 = tpu.memref_slice %arg11[%scan3A_9, %dma_start3A_20] : memref<79x128xi32, #tpu.memory_space<vmem>> -> memref<1x128xi32, #tpu.memory_space<vmem>>
        %dma_start3A_22 = tpu.memref_squeeze %dma_start3A_21 : memref<1x128xi32, #tpu.memory_space<vmem>> -> memref<128xi32, #tpu.memory_space<vmem>>
        %dma_start3A_23 = arith.constant 0 : i32
        %dma_start3A_24 = arith.constant 0 : i32
        %dma_start3A_25 = tpu.memref_slice %arg14[%dma_start3A_23, %dma_start3A_24] : memref<10048x64xf32, #tpu.memory_space<vmem_shared>> -> memref<10048x64xf32, #tpu.memory_space<vmem_shared>>
        tpu.enqueue_indirect_dma source(%arg12 : memref<128x64xf32, #tpu.memory_space<vmem>>) target(%dma_start3A_25 : memref<10048x64xf32, #tpu.memory_space<vmem_shared>>) offsets(%dma_start3A_22 : memref<128xi32, #tpu.memory_space<vmem>>) semaphore(%run_scoped3A : memref<!tpu.dma_semaphore, #tpu.memory_space<semaphore_mem>>) {add = true}
        %dma_wait3A_26 = arith.constant 0 : i32
        %dma_wait3A_27 = tpu.memref_slice %arg11[%scan3A_9, %dma_wait3A_26] : memref<79x128xi32, #tpu.memory_space<vmem>> -> memref<1x128xi32, #tpu.memory_space<vmem>>
        %dma_wait3A_28 = tpu.memref_squeeze %dma_wait3A_27 : memref<1x128xi32, #tpu.memory_space<vmem>> -> memref<128xi32, #tpu.memory_space<vmem>>
        %dma_wait3A_29 = arith.constant 0 : i32
        %dma_wait3A_30 = arith.constant 0 : i32
        %dma_wait3A_31 = tpu.memref_slice %arg14[%dma_wait3A_29, %dma_wait3A_30] : memref<10048x64xf32, #tpu.memory_space<vmem_shared>> -> memref<10048x64xf32, #tpu.memory_space<vmem_shared>>
        tpu.wait_indirect_dma semaphore(%run_scoped3A : memref<!tpu.dma_semaphore, #tpu.memory_space<semaphore_mem>>) src(%arg12 : memref<128x64xf32, #tpu.memory_space<vmem>>) dst(%dma_wait3A_31 : memref<10048x64xf32, #tpu.memory_space<vmem_shared>>)
        tpu.yield
      }) : () -> ()
      "tpu.region"() ({
        %run_scoped3A = tpu.sem_alloc : memref<!tpu.dma_semaphore, #tpu.memory_space<semaphore_mem>>
        %dma_start3A_20 = arith.constant 0 : i32
        %dma_start3A_21 = tpu.memref_slice %arg11[%scan3A_9, %dma_start3A_20] : memref<79x128xi32, #tpu.memory_space<vmem>> -> memref<1x128xi32, #tpu.memory_space<vmem>>
        %dma_start3A_22 = tpu.memref_squeeze %dma_start3A_21 : memref<1x128xi32, #tpu.memory_space<vmem>> -> memref<128xi32, #tpu.memory_space<vmem>>
        %dma_start3A_23 = arith.constant 0 : i32
        %dma_start3A_24 = arith.constant 0 : i32
        %dma_start3A_25 = tpu.memref_slice %arg18[%dma_start3A_23, %dma_start3A_24] : memref<10048x16xf32, #tpu.memory_space<vmem_shared>> -> memref<10048x16xf32, #tpu.memory_space<vmem_shared>>
        tpu.enqueue_indirect_dma source(%arg16 : memref<128x16xf32, #tpu.memory_space<vmem>>) target(%dma_start3A_25 : memref<10048x16xf32, #tpu.memory_space<vmem_shared>>) offsets(%dma_start3A_22 : memref<128xi32, #tpu.memory_space<vmem>>) semaphore(%run_scoped3A : memref<!tpu.dma_semaphore, #tpu.memory_space<semaphore_mem>>) {add = true}
        %dma_wait3A_26 = arith.constant 0 : i32
        %dma_wait3A_27 = tpu.memref_slice %arg11[%scan3A_9, %dma_wait3A_26] : memref<79x128xi32, #tpu.memory_space<vmem>> -> memref<1x128xi32, #tpu.memory_space<vmem>>
        %dma_wait3A_28 = tpu.memref_squeeze %dma_wait3A_27 : memref<1x128xi32, #tpu.memory_space<vmem>> -> memref<128xi32, #tpu.memory_space<vmem>>
        %dma_wait3A_29 = arith.constant 0 : i32
        %dma_wait3A_30 = arith.constant 0 : i32
        %dma_wait3A_31 = tpu.memref_slice %arg18[%dma_wait3A_29, %dma_wait3A_30] : memref<10048x16xf32, #tpu.memory_space<vmem_shared>> -> memref<10048x16xf32, #tpu.memory_space<vmem_shared>>
        tpu.wait_indirect_dma semaphore(%run_scoped3A : memref<!tpu.dma_semaphore, #tpu.memory_space<semaphore_mem>>) src(%arg16 : memref<128x16xf32, #tpu.memory_space<vmem>>) dst(%dma_wait3A_31 : memref<10048x16xf32, #tpu.memory_space<vmem_shared>>)
        tpu.yield
      }) : () -> ()
    }
    %scan3A_7 = arith.constant 79 : i32
    %barrier3A_8 = arith.constant 0 : index
    tpu.barrier barrier_id(%barrier3A_8)
    "tpu.region"() ({
      %run_scoped3A = tpu.sem_alloc : memref<!tpu.dma_semaphore, #tpu.memory_space<semaphore_mem>>
      %dma_start3A = arith.constant 0 : i32
      %dma_start3A_9 = tpu.memref_slice %arg14[%mul3A_2, %dma_start3A] : memref<10048x64xf32, #tpu.memory_space<vmem_shared>> -> memref<628x64xf32, #tpu.memory_space<vmem_shared>>
      %dma_start3A_10 = arith.constant 0 : i32
      %dma_start3A_11 = tpu.memref_slice %arg14[%mul3A_2, %dma_start3A_10] : memref<10048x64xf32, #tpu.memory_space<vmem_shared>> -> memref<628x64xf32, #tpu.memory_space<vmem_shared>>
      tpu.enqueue_dma source(%dma_start3A_11 : memref<628x64xf32, #tpu.memory_space<vmem_shared>>) target(%arg13 : memref<628x64xf32, #tpu.memory_space<vmem>>) target_semaphore(%run_scoped3A : memref<!tpu.dma_semaphore, #tpu.memory_space<semaphore_mem>>)
      %dma_wait3A = arith.constant 0 : i32
      %dma_wait3A_12 = tpu.memref_slice %arg14[%mul3A_2, %dma_wait3A] : memref<10048x64xf32, #tpu.memory_space<vmem_shared>> -> memref<628x64xf32, #tpu.memory_space<vmem_shared>>
      %dma_wait3A_13 = arith.constant 0 : i32
      %dma_wait3A_14 = tpu.memref_slice %arg14[%mul3A_2, %dma_wait3A_13] : memref<10048x64xf32, #tpu.memory_space<vmem_shared>> -> memref<628x64xf32, #tpu.memory_space<vmem_shared>>
      tpu.wait_dma2 semaphore(%run_scoped3A : memref<!tpu.dma_semaphore, #tpu.memory_space<semaphore_mem>>) src(%dma_wait3A_14 : memref<628x64xf32, #tpu.memory_space<vmem_shared>>) dst(%arg13 : memref<628x64xf32, #tpu.memory_space<vmem>>)
      tpu.yield
    }) : () -> ()
    "tpu.region"() ({
      %run_scoped3A = tpu.sem_alloc : memref<!tpu.dma_semaphore, #tpu.memory_space<semaphore_mem>>
      %dma_start3A = arith.constant 0 : i32
      %dma_start3A_9 = tpu.memref_slice %arg8[%arg0, %mul3A_2, %dma_start3A] : memref<2x10048x64xf32, #tpu.memory_space<hbm>> -> memref<1x628x64xf32, #tpu.memory_space<hbm>>
      %dma_start3A_10 = tpu.memref_squeeze %dma_start3A_9 : memref<1x628x64xf32, #tpu.memory_space<hbm>> -> memref<628x64xf32, #tpu.memory_space<hbm>>
      %dma_start3A_11 = arith.constant 0 : i32
      %dma_start3A_12 = tpu.memref_slice %arg8[%arg0, %mul3A_2, %dma_start3A_11] : memref<2x10048x64xf32, #tpu.memory_space<hbm>> -> memref<1x628x64xf32, #tpu.memory_space<hbm>>
      %dma_start3A_13 = tpu.memref_squeeze %dma_start3A_12 : memref<1x628x64xf32, #tpu.memory_space<hbm>> -> memref<628x64xf32, #tpu.memory_space<hbm>>
      tpu.enqueue_dma source(%arg13 : memref<628x64xf32, #tpu.memory_space<vmem>>) target(%dma_start3A_13 : memref<628x64xf32, #tpu.memory_space<hbm>>) target_semaphore(%run_scoped3A : memref<!tpu.dma_semaphore, #tpu.memory_space<semaphore_mem>>)
      %dma_wait3A = arith.constant 0 : i32
      %dma_wait3A_14 = tpu.memref_slice %arg8[%arg0, %mul3A_2, %dma_wait3A] : memref<2x10048x64xf32, #tpu.memory_space<hbm>> -> memref<1x628x64xf32, #tpu.memory_space<hbm>>
      %dma_wait3A_15 = tpu.memref_squeeze %dma_wait3A_14 : memref<1x628x64xf32, #tpu.memory_space<hbm>> -> memref<628x64xf32, #tpu.memory_space<hbm>>
      %dma_wait3A_16 = arith.constant 0 : i32
      %dma_wait3A_17 = tpu.memref_slice %arg8[%arg0, %mul3A_2, %dma_wait3A_16] : memref<2x10048x64xf32, #tpu.memory_space<hbm>> -> memref<1x628x64xf32, #tpu.memory_space<hbm>>
      %dma_wait3A_18 = tpu.memref_squeeze %dma_wait3A_17 : memref<1x628x64xf32, #tpu.memory_space<hbm>> -> memref<628x64xf32, #tpu.memory_space<hbm>>
      tpu.wait_dma2 semaphore(%run_scoped3A : memref<!tpu.dma_semaphore, #tpu.memory_space<semaphore_mem>>) src(%arg13 : memref<628x64xf32, #tpu.memory_space<vmem>>) dst(%dma_wait3A_18 : memref<628x64xf32, #tpu.memory_space<hbm>>)
      tpu.yield
    }) : () -> ()
    "tpu.region"() ({
      %run_scoped3A = tpu.sem_alloc : memref<!tpu.dma_semaphore, #tpu.memory_space<semaphore_mem>>
      %dma_start3A = arith.constant 0 : i32
      %dma_start3A_9 = tpu.memref_slice %arg18[%mul3A_2, %dma_start3A] : memref<10048x16xf32, #tpu.memory_space<vmem_shared>> -> memref<628x16xf32, #tpu.memory_space<vmem_shared>>
      %dma_start3A_10 = arith.constant 0 : i32
      %dma_start3A_11 = tpu.memref_slice %arg18[%mul3A_2, %dma_start3A_10] : memref<10048x16xf32, #tpu.memory_space<vmem_shared>> -> memref<628x16xf32, #tpu.memory_space<vmem_shared>>
      tpu.enqueue_dma source(%dma_start3A_11 : memref<628x16xf32, #tpu.memory_space<vmem_shared>>) target(%arg17 : memref<628x16xf32, #tpu.memory_space<vmem>>) target_semaphore(%run_scoped3A : memref<!tpu.dma_semaphore, #tpu.memory_space<semaphore_mem>>)
      %dma_wait3A = arith.constant 0 : i32
      %dma_wait3A_12 = tpu.memref_slice %arg18[%mul3A_2, %dma_wait3A] : memref<10048x16xf32, #tpu.memory_space<vmem_shared>> -> memref<628x16xf32, #tpu.memory_space<vmem_shared>>
      %dma_wait3A_13 = arith.constant 0 : i32
      %dma_wait3A_14 = tpu.memref_slice %arg18[%mul3A_2, %dma_wait3A_13] : memref<10048x16xf32, #tpu.memory_space<vmem_shared>> -> memref<628x16xf32, #tpu.memory_space<vmem_shared>>
      tpu.wait_dma2 semaphore(%run_scoped3A : memref<!tpu.dma_semaphore, #tpu.memory_space<semaphore_mem>>) src(%dma_wait3A_14 : memref<628x16xf32, #tpu.memory_space<vmem_shared>>) dst(%arg17 : memref<628x16xf32, #tpu.memory_space<vmem>>)
      tpu.yield
    }) : () -> ()
    "tpu.region"() ({
      %run_scoped3A = tpu.sem_alloc : memref<!tpu.dma_semaphore, #tpu.memory_space<semaphore_mem>>
      %dma_start3A = arith.constant 0 : i32
      %dma_start3A_9 = tpu.memref_slice %arg9[%arg0, %mul3A_2, %dma_start3A] : memref<2x10048x16xf32, #tpu.memory_space<hbm>> -> memref<1x628x16xf32, #tpu.memory_space<hbm>>
      %dma_start3A_10 = tpu.memref_squeeze %dma_start3A_9 : memref<1x628x16xf32, #tpu.memory_space<hbm>> -> memref<628x16xf32, #tpu.memory_space<hbm>>
      %dma_start3A_11 = arith.constant 0 : i32
      %dma_start3A_12 = tpu.memref_slice %arg9[%arg0, %mul3A_2, %dma_start3A_11] : memref<2x10048x16xf32, #tpu.memory_space<hbm>> -> memref<1x628x16xf32, #tpu.memory_space<hbm>>
      %dma_start3A_13 = tpu.memref_squeeze %dma_start3A_12 : memref<1x628x16xf32, #tpu.memory_space<hbm>> -> memref<628x16xf32, #tpu.memory_space<hbm>>
      tpu.enqueue_dma source(%arg17 : memref<628x16xf32, #tpu.memory_space<vmem>>) target(%dma_start3A_13 : memref<628x16xf32, #tpu.memory_space<hbm>>) target_semaphore(%run_scoped3A : memref<!tpu.dma_semaphore, #tpu.memory_space<semaphore_mem>>)
      %dma_wait3A = arith.constant 0 : i32
      %dma_wait3A_14 = tpu.memref_slice %arg9[%arg0, %mul3A_2, %dma_wait3A] : memref<2x10048x16xf32, #tpu.memory_space<hbm>> -> memref<1x628x16xf32, #tpu.memory_space<hbm>>
      %dma_wait3A_15 = tpu.memref_squeeze %dma_wait3A_14 : memref<1x628x16xf32, #tpu.memory_space<hbm>> -> memref<628x16xf32, #tpu.memory_space<hbm>>
      %dma_wait3A_16 = arith.constant 0 : i32
      %dma_wait3A_17 = tpu.memref_slice %arg9[%arg0, %mul3A_2, %dma_wait3A_16] : memref<2x10048x16xf32, #tpu.memory_space<hbm>> -> memref<1x628x16xf32, #tpu.memory_space<hbm>>
      %dma_wait3A_18 = tpu.memref_squeeze %dma_wait3A_17 : memref<1x628x16xf32, #tpu.memory_space<hbm>> -> memref<628x16xf32, #tpu.memory_space<hbm>>
      tpu.wait_dma2 semaphore(%run_scoped3A : memref<!tpu.dma_semaphore, #tpu.memory_space<semaphore_mem>>) src(%arg17 : memref<628x16xf32, #tpu.memory_space<vmem>>) dst(%dma_wait3A_18 : memref<628x16xf32, #tpu.memory_space<hbm>>)
      tpu.yield
    }) : () -> ()
    return
  }
}

#map = affine_map<(d0, d1) -> (0, 0)>
#map1 = affine_map<(d0, d1) -> (0, 0, 0)>
module attributes {stable_mosaic.version = 14 : i64} {
  func.func @body(%arg0: i32, %arg1: i32, %arg2: memref<10000x16xf32, #tpu.memory_space<hbm>>, %arg3: memref<32x79x128xi32, #tpu.memory_space<hbm>>, %arg4: memref<32x79x128xi32, #tpu.memory_space<hbm>>, %arg5: memref<628x16xf32, #tpu.memory_space<hbm>>, %arg6: memref<2x10048x16xf32, #tpu.memory_space<hbm>>, %arg7: memref<79x128xi32, #tpu.memory_space<vmem>>, %arg8: memref<79x128xi32, #tpu.memory_space<vmem>>, %arg9: memref<128x16xf32, #tpu.memory_space<vmem>>, %arg10: memref<628x16xf32, #tpu.memory_space<vmem>>, %arg11: memref<10048x16xf32, #tpu.memory_space<vmem_shared>>, %arg12: memref<!tpu.dma_semaphore, #tpu.memory_space<semaphore_mem>>) attributes {dimension_semantics = [#tpu.dimension_semantics<core_parallel>, #tpu.dimension_semantics<subcore_parallel>], iteration_bounds = array<i64: 2, 16>, scalar_prefetch = 0 : i64, scratch_operands = 6 : i64, tpu.core_type = #tpu.core_type<sc_vector_subcore>, window_params = [{transform_indices = #map}, {transform_indices = #map1}, {transform_indices = #map1}, {transform_indices = #map}, {transform_indices = #map1}]} {
    %mul3A = arith.constant 16 : i32
    %mul3A_0 = arith.muli %arg0, %mul3A : i32
    %add3A = arith.addi %mul3A_0, %arg1 : i32
    %mul3A_1 = arith.constant 628 : i32
    %mul3A_2 = arith.muli %arg1, %mul3A_1 : i32
    "tpu.region"() ({
      %run_scoped3A = tpu.sem_alloc : memref<!tpu.dma_semaphore, #tpu.memory_space<semaphore_mem>>
      tpu.enqueue_dma source(%arg5 : memref<628x16xf32, #tpu.memory_space<hbm>>) target(%arg10 : memref<628x16xf32, #tpu.memory_space<vmem>>) target_semaphore(%run_scoped3A : memref<!tpu.dma_semaphore, #tpu.memory_space<semaphore_mem>>)
      tpu.wait_dma2 semaphore(%run_scoped3A : memref<!tpu.dma_semaphore, #tpu.memory_space<semaphore_mem>>) src(%arg5 : memref<628x16xf32, #tpu.memory_space<hbm>>) dst(%arg10 : memref<628x16xf32, #tpu.memory_space<vmem>>)
      tpu.yield
    }) : () -> ()
    "tpu.region"() ({
      %run_scoped3A = tpu.sem_alloc : memref<!tpu.dma_semaphore, #tpu.memory_space<semaphore_mem>>
      %dma_start3A = arith.constant 0 : i32
      %dma_start3A_9 = tpu.memref_slice %arg11[%mul3A_2, %dma_start3A] : memref<10048x16xf32, #tpu.memory_space<vmem_shared>> -> memref<628x16xf32, #tpu.memory_space<vmem_shared>>
      %dma_start3A_10 = arith.constant 0 : i32
      %dma_start3A_11 = tpu.memref_slice %arg11[%mul3A_2, %dma_start3A_10] : memref<10048x16xf32, #tpu.memory_space<vmem_shared>> -> memref<628x16xf32, #tpu.memory_space<vmem_shared>>
      tpu.enqueue_dma source(%arg10 : memref<628x16xf32, #tpu.memory_space<vmem>>) target(%dma_start3A_11 : memref<628x16xf32, #tpu.memory_space<vmem_shared>>) target_semaphore(%run_scoped3A : memref<!tpu.dma_semaphore, #tpu.memory_space<semaphore_mem>>)
      %dma_wait3A = arith.constant 0 : i32
      %dma_wait3A_12 = tpu.memref_slice %arg11[%mul3A_2, %dma_wait3A] : memref<10048x16xf32, #tpu.memory_space<vmem_shared>> -> memref<628x16xf32, #tpu.memory_space<vmem_shared>>
      %dma_wait3A_13 = arith.constant 0 : i32
      %dma_wait3A_14 = tpu.memref_slice %arg11[%mul3A_2, %dma_wait3A_13] : memref<10048x16xf32, #tpu.memory_space<vmem_shared>> -> memref<628x16xf32, #tpu.memory_space<vmem_shared>>
      tpu.wait_dma2 semaphore(%run_scoped3A : memref<!tpu.dma_semaphore, #tpu.memory_space<semaphore_mem>>) src(%arg10 : memref<628x16xf32, #tpu.memory_space<vmem>>) dst(%dma_wait3A_14 : memref<628x16xf32, #tpu.memory_space<vmem_shared>>)
      tpu.yield
    }) : () -> ()
    "tpu.region"() ({
      %run_scoped3A = tpu.sem_alloc : memref<!tpu.dma_semaphore, #tpu.memory_space<semaphore_mem>>
      %dma_start3A = arith.constant 0 : i32
      %dma_start3A_9 = arith.constant 0 : i32
      %dma_start3A_10 = tpu.memref_slice %arg3[%add3A, %dma_start3A, %dma_start3A_9] : memref<32x79x128xi32, #tpu.memory_space<hbm>> -> memref<1x79x128xi32, #tpu.memory_space<hbm>>
      %dma_start3A_11 = tpu.memref_squeeze %dma_start3A_10 : memref<1x79x128xi32, #tpu.memory_space<hbm>> -> memref<79x128xi32, #tpu.memory_space<hbm>>
      %dma_start3A_12 = arith.constant 0 : i32
      %dma_start3A_13 = arith.constant 0 : i32
      %dma_start3A_14 = tpu.memref_slice %arg3[%add3A, %dma_start3A_12, %dma_start3A_13] : memref<32x79x128xi32, #tpu.memory_space<hbm>> -> memref<1x79x128xi32, #tpu.memory_space<hbm>>
      %dma_start3A_15 = tpu.memref_squeeze %dma_start3A_14 : memref<1x79x128xi32, #tpu.memory_space<hbm>> -> memref<79x128xi32, #tpu.memory_space<hbm>>
      tpu.enqueue_dma source(%dma_start3A_15 : memref<79x128xi32, #tpu.memory_space<hbm>>) target(%arg7 : memref<79x128xi32, #tpu.memory_space<vmem>>) target_semaphore(%run_scoped3A : memref<!tpu.dma_semaphore, #tpu.memory_space<semaphore_mem>>)
      %dma_wait3A = arith.constant 0 : i32
      %dma_wait3A_16 = arith.constant 0 : i32
      %dma_wait3A_17 = tpu.memref_slice %arg3[%add3A, %dma_wait3A, %dma_wait3A_16] : memref<32x79x128xi32, #tpu.memory_space<hbm>> -> memref<1x79x128xi32, #tpu.memory_space<hbm>>
      %dma_wait3A_18 = tpu.memref_squeeze %dma_wait3A_17 : memref<1x79x128xi32, #tpu.memory_space<hbm>> -> memref<79x128xi32, #tpu.memory_space<hbm>>
      %dma_wait3A_19 = arith.constant 0 : i32
      %dma_wait3A_20 = arith.constant 0 : i32
      %dma_wait3A_21 = tpu.memref_slice %arg3[%add3A, %dma_wait3A_19, %dma_wait3A_20] : memref<32x79x128xi32, #tpu.memory_space<hbm>> -> memref<1x79x128xi32, #tpu.memory_space<hbm>>
      %dma_wait3A_22 = tpu.memref_squeeze %dma_wait3A_21 : memref<1x79x128xi32, #tpu.memory_space<hbm>> -> memref<79x128xi32, #tpu.memory_space<hbm>>
      tpu.wait_dma2 semaphore(%run_scoped3A : memref<!tpu.dma_semaphore, #tpu.memory_space<semaphore_mem>>) src(%dma_wait3A_22 : memref<79x128xi32, #tpu.memory_space<hbm>>) dst(%arg7 : memref<79x128xi32, #tpu.memory_space<vmem>>)
      tpu.yield
    }) : () -> ()
    "tpu.region"() ({
      %run_scoped3A = tpu.sem_alloc : memref<!tpu.dma_semaphore, #tpu.memory_space<semaphore_mem>>
      %dma_start3A = arith.constant 0 : i32
      %dma_start3A_9 = arith.constant 0 : i32
      %dma_start3A_10 = tpu.memref_slice %arg4[%add3A, %dma_start3A, %dma_start3A_9] : memref<32x79x128xi32, #tpu.memory_space<hbm>> -> memref<1x79x128xi32, #tpu.memory_space<hbm>>
      %dma_start3A_11 = tpu.memref_squeeze %dma_start3A_10 : memref<1x79x128xi32, #tpu.memory_space<hbm>> -> memref<79x128xi32, #tpu.memory_space<hbm>>
      %dma_start3A_12 = arith.constant 0 : i32
      %dma_start3A_13 = arith.constant 0 : i32
      %dma_start3A_14 = tpu.memref_slice %arg4[%add3A, %dma_start3A_12, %dma_start3A_13] : memref<32x79x128xi32, #tpu.memory_space<hbm>> -> memref<1x79x128xi32, #tpu.memory_space<hbm>>
      %dma_start3A_15 = tpu.memref_squeeze %dma_start3A_14 : memref<1x79x128xi32, #tpu.memory_space<hbm>> -> memref<79x128xi32, #tpu.memory_space<hbm>>
      tpu.enqueue_dma source(%dma_start3A_15 : memref<79x128xi32, #tpu.memory_space<hbm>>) target(%arg8 : memref<79x128xi32, #tpu.memory_space<vmem>>) target_semaphore(%run_scoped3A : memref<!tpu.dma_semaphore, #tpu.memory_space<semaphore_mem>>)
      %dma_wait3A = arith.constant 0 : i32
      %dma_wait3A_16 = arith.constant 0 : i32
      %dma_wait3A_17 = tpu.memref_slice %arg4[%add3A, %dma_wait3A, %dma_wait3A_16] : memref<32x79x128xi32, #tpu.memory_space<hbm>> -> memref<1x79x128xi32, #tpu.memory_space<hbm>>
      %dma_wait3A_18 = tpu.memref_squeeze %dma_wait3A_17 : memref<1x79x128xi32, #tpu.memory_space<hbm>> -> memref<79x128xi32, #tpu.memory_space<hbm>>
      %dma_wait3A_19 = arith.constant 0 : i32
      %dma_wait3A_20 = arith.constant 0 : i32
      %dma_wait3A_21 = tpu.memref_slice %arg4[%add3A, %dma_wait3A_19, %dma_wait3A_20] : memref<32x79x128xi32, #tpu.memory_space<hbm>> -> memref<1x79x128xi32, #tpu.memory_space<hbm>>
      %dma_wait3A_22 = tpu.memref_squeeze %dma_wait3A_21 : memref<1x79x128xi32, #tpu.memory_space<hbm>> -> memref<79x128xi32, #tpu.memory_space<hbm>>
      tpu.wait_dma2 semaphore(%run_scoped3A : memref<!tpu.dma_semaphore, #tpu.memory_space<semaphore_mem>>) src(%dma_wait3A_22 : memref<79x128xi32, #tpu.memory_space<hbm>>) dst(%arg8 : memref<79x128xi32, #tpu.memory_space<vmem>>)
      tpu.yield
    }) : () -> ()
    %barrier3A = arith.constant 0 : index
    tpu.barrier barrier_id(%barrier3A)
    %scan3A = arith.constant 0 : i32
    %scan3A_3 = arith.constant 0 : i32
    %scan3A_4 = arith.constant 79 : i32
    %scan3A_5 = arith.addi %scan3A_3, %scan3A_4 : i32
    %scan3A_6 = arith.constant 1 : i32
    scf.for %scan3A_9 = %scan3A_3 to %scan3A_5 step %scan3A_6  : i32 {
      %dma_start3A = arith.constant 0 : i32
      %dma_start3A_10 = tpu.memref_slice %arg7[%scan3A_9, %dma_start3A] : memref<79x128xi32, #tpu.memory_space<vmem>> -> memref<1x128xi32, #tpu.memory_space<vmem>>
      %dma_start3A_11 = tpu.memref_squeeze %dma_start3A_10 : memref<1x128xi32, #tpu.memory_space<vmem>> -> memref<128xi32, #tpu.memory_space<vmem>>
      %dma_start3A_12 = arith.constant 0 : i32
      %dma_start3A_13 = arith.constant 0 : i32
      %dma_start3A_14 = tpu.memref_slice %arg2[%dma_start3A_12, %dma_start3A_13] : memref<10000x16xf32, #tpu.memory_space<hbm>> -> memref<10000x16xf32, #tpu.memory_space<hbm>>
      tpu.enqueue_indirect_dma source(%dma_start3A_14 : memref<10000x16xf32, #tpu.memory_space<hbm>>) target(%arg9 : memref<128x16xf32, #tpu.memory_space<vmem>>) offsets(%dma_start3A_11 : memref<128xi32, #tpu.memory_space<vmem>>) semaphore(%arg12 : memref<!tpu.dma_semaphore, #tpu.memory_space<semaphore_mem>>)
      %dma_wait3A = arith.constant 0 : i32
      %dma_wait3A_15 = tpu.memref_slice %arg7[%scan3A_9, %dma_wait3A] : memref<79x128xi32, #tpu.memory_space<vmem>> -> memref<1x128xi32, #tpu.memory_space<vmem>>
      %dma_wait3A_16 = tpu.memref_squeeze %dma_wait3A_15 : memref<1x128xi32, #tpu.memory_space<vmem>> -> memref<128xi32, #tpu.memory_space<vmem>>
      %dma_wait3A_17 = arith.constant 0 : i32
      %dma_wait3A_18 = arith.constant 0 : i32
      %dma_wait3A_19 = tpu.memref_slice %arg2[%dma_wait3A_17, %dma_wait3A_18] : memref<10000x16xf32, #tpu.memory_space<hbm>> -> memref<10000x16xf32, #tpu.memory_space<hbm>>
      tpu.wait_indirect_dma semaphore(%arg12 : memref<!tpu.dma_semaphore, #tpu.memory_space<semaphore_mem>>) src(%dma_wait3A_19 : memref<10000x16xf32, #tpu.memory_space<hbm>>) dst(%arg9 : memref<128x16xf32, #tpu.memory_space<vmem>>)
      "tpu.region"() ({
        %run_scoped3A = tpu.sem_alloc : memref<!tpu.dma_semaphore, #tpu.memory_space<semaphore_mem>>
        %dma_start3A_20 = arith.constant 0 : i32
        %dma_start3A_21 = tpu.memref_slice %arg8[%scan3A_9, %dma_start3A_20] : memref<79x128xi32, #tpu.memory_space<vmem>> -> memref<1x128xi32, #tpu.memory_space<vmem>>
        %dma_start3A_22 = tpu.memref_squeeze %dma_start3A_21 : memref<1x128xi32, #tpu.memory_space<vmem>> -> memref<128xi32, #tpu.memory_space<vmem>>
        %dma_start3A_23 = arith.constant 0 : i32
        %dma_start3A_24 = arith.constant 0 : i32
        %dma_start3A_25 = tpu.memref_slice %arg11[%dma_start3A_23, %dma_start3A_24] : memref<10048x16xf32, #tpu.memory_space<vmem_shared>> -> memref<10048x16xf32, #tpu.memory_space<vmem_shared>>
        tpu.enqueue_indirect_dma source(%arg9 : memref<128x16xf32, #tpu.memory_space<vmem>>) target(%dma_start3A_25 : memref<10048x16xf32, #tpu.memory_space<vmem_shared>>) offsets(%dma_start3A_22 : memref<128xi32, #tpu.memory_space<vmem>>) semaphore(%run_scoped3A : memref<!tpu.dma_semaphore, #tpu.memory_space<semaphore_mem>>) {add = true}
        %dma_wait3A_26 = arith.constant 0 : i32
        %dma_wait3A_27 = tpu.memref_slice %arg8[%scan3A_9, %dma_wait3A_26] : memref<79x128xi32, #tpu.memory_space<vmem>> -> memref<1x128xi32, #tpu.memory_space<vmem>>
        %dma_wait3A_28 = tpu.memref_squeeze %dma_wait3A_27 : memref<1x128xi32, #tpu.memory_space<vmem>> -> memref<128xi32, #tpu.memory_space<vmem>>
        %dma_wait3A_29 = arith.constant 0 : i32
        %dma_wait3A_30 = arith.constant 0 : i32
        %dma_wait3A_31 = tpu.memref_slice %arg11[%dma_wait3A_29, %dma_wait3A_30] : memref<10048x16xf32, #tpu.memory_space<vmem_shared>> -> memref<10048x16xf32, #tpu.memory_space<vmem_shared>>
        tpu.wait_indirect_dma semaphore(%run_scoped3A : memref<!tpu.dma_semaphore, #tpu.memory_space<semaphore_mem>>) src(%arg9 : memref<128x16xf32, #tpu.memory_space<vmem>>) dst(%dma_wait3A_31 : memref<10048x16xf32, #tpu.memory_space<vmem_shared>>)
        tpu.yield
      }) : () -> ()
    }
    %scan3A_7 = arith.constant 79 : i32
    %barrier3A_8 = arith.constant 0 : index
    tpu.barrier barrier_id(%barrier3A_8)
    "tpu.region"() ({
      %run_scoped3A = tpu.sem_alloc : memref<!tpu.dma_semaphore, #tpu.memory_space<semaphore_mem>>
      %dma_start3A = arith.constant 0 : i32
      %dma_start3A_9 = tpu.memref_slice %arg11[%mul3A_2, %dma_start3A] : memref<10048x16xf32, #tpu.memory_space<vmem_shared>> -> memref<628x16xf32, #tpu.memory_space<vmem_shared>>
      %dma_start3A_10 = arith.constant 0 : i32
      %dma_start3A_11 = tpu.memref_slice %arg11[%mul3A_2, %dma_start3A_10] : memref<10048x16xf32, #tpu.memory_space<vmem_shared>> -> memref<628x16xf32, #tpu.memory_space<vmem_shared>>
      tpu.enqueue_dma source(%dma_start3A_11 : memref<628x16xf32, #tpu.memory_space<vmem_shared>>) target(%arg10 : memref<628x16xf32, #tpu.memory_space<vmem>>) target_semaphore(%run_scoped3A : memref<!tpu.dma_semaphore, #tpu.memory_space<semaphore_mem>>)
      %dma_wait3A = arith.constant 0 : i32
      %dma_wait3A_12 = tpu.memref_slice %arg11[%mul3A_2, %dma_wait3A] : memref<10048x16xf32, #tpu.memory_space<vmem_shared>> -> memref<628x16xf32, #tpu.memory_space<vmem_shared>>
      %dma_wait3A_13 = arith.constant 0 : i32
      %dma_wait3A_14 = tpu.memref_slice %arg11[%mul3A_2, %dma_wait3A_13] : memref<10048x16xf32, #tpu.memory_space<vmem_shared>> -> memref<628x16xf32, #tpu.memory_space<vmem_shared>>
      tpu.wait_dma2 semaphore(%run_scoped3A : memref<!tpu.dma_semaphore, #tpu.memory_space<semaphore_mem>>) src(%dma_wait3A_14 : memref<628x16xf32, #tpu.memory_space<vmem_shared>>) dst(%arg10 : memref<628x16xf32, #tpu.memory_space<vmem>>)
      tpu.yield
    }) : () -> ()
    "tpu.region"() ({
      %run_scoped3A = tpu.sem_alloc : memref<!tpu.dma_semaphore, #tpu.memory_space<semaphore_mem>>
      %dma_start3A = arith.constant 0 : i32
      %dma_start3A_9 = tpu.memref_slice %arg6[%arg0, %mul3A_2, %dma_start3A] : memref<2x10048x16xf32, #tpu.memory_space<hbm>> -> memref<1x628x16xf32, #tpu.memory_space<hbm>>
      %dma_start3A_10 = tpu.memref_squeeze %dma_start3A_9 : memref<1x628x16xf32, #tpu.memory_space<hbm>> -> memref<628x16xf32, #tpu.memory_space<hbm>>
      %dma_start3A_11 = arith.constant 0 : i32
      %dma_start3A_12 = tpu.memref_slice %arg6[%arg0, %mul3A_2, %dma_start3A_11] : memref<2x10048x16xf32, #tpu.memory_space<hbm>> -> memref<1x628x16xf32, #tpu.memory_space<hbm>>
      %dma_start3A_13 = tpu.memref_squeeze %dma_start3A_12 : memref<1x628x16xf32, #tpu.memory_space<hbm>> -> memref<628x16xf32, #tpu.memory_space<hbm>>
      tpu.enqueue_dma source(%arg10 : memref<628x16xf32, #tpu.memory_space<vmem>>) target(%dma_start3A_13 : memref<628x16xf32, #tpu.memory_space<hbm>>) target_semaphore(%run_scoped3A : memref<!tpu.dma_semaphore, #tpu.memory_space<semaphore_mem>>)
      %dma_wait3A = arith.constant 0 : i32
      %dma_wait3A_14 = tpu.memref_slice %arg6[%arg0, %mul3A_2, %dma_wait3A] : memref<2x10048x16xf32, #tpu.memory_space<hbm>> -> memref<1x628x16xf32, #tpu.memory_space<hbm>>
      %dma_wait3A_15 = tpu.memref_squeeze %dma_wait3A_14 : memref<1x628x16xf32, #tpu.memory_space<hbm>> -> memref<628x16xf32, #tpu.memory_space<hbm>>
      %dma_wait3A_16 = arith.constant 0 : i32
      %dma_wait3A_17 = tpu.memref_slice %arg6[%arg0, %mul3A_2, %dma_wait3A_16] : memref<2x10048x16xf32, #tpu.memory_space<hbm>> -> memref<1x628x16xf32, #tpu.memory_space<hbm>>
      %dma_wait3A_18 = tpu.memref_squeeze %dma_wait3A_17 : memref<1x628x16xf32, #tpu.memory_space<hbm>> -> memref<628x16xf32, #tpu.memory_space<hbm>>
      tpu.wait_dma2 semaphore(%run_scoped3A : memref<!tpu.dma_semaphore, #tpu.memory_space<semaphore_mem>>) src(%arg10 : memref<628x16xf32, #tpu.memory_space<vmem>>) dst(%dma_wait3A_18 : memref<628x16xf32, #tpu.memory_space<hbm>>)
      tpu.yield
    }) : () -> ()
    return
  }
}

module attributes {stable_mosaic.version = 14 : i64} {
  func.func @body(%arg0: memref<10000x128xf32, #tpu.memory_space<vmem>>, %arg1: memref<128x128xf32, #tpu.memory_space<vmem>>, %arg2: memref<1x64xf32, #tpu.memory_space<vmem>>, %arg3: memref<10000x64xf32, #tpu.memory_space<vmem>>, %arg4: memref<10000x64xf32, #tpu.memory_space<vmem>>) attributes {dimension_semantics = [], scalar_prefetch = 0 : i64, scratch_operands = 0 : i64, tpu.core_type = #tpu.core_type<tc>} {
    %get3A = arith.constant 0 : index
    %get3A_0 = arith.constant 0 : index
    %get3A_1 = vector.load %arg0[%get3A, %get3A_0] : memref<10000x128xf32, #tpu.memory_space<vmem>>, vector<10000x128xf32>
    %get3A_2 = arith.constant 0 : index
    %get3A_3 = arith.constant 0 : index
    %get3A_4 = vector.load %arg1[%get3A_2, %get3A_3] : memref<128x128xf32, #tpu.memory_space<vmem>>, vector<128x128xf32>
    %dot_general3A = arith.constant dense<0.000000e+00> : vector<10000x128xf32>
    %dot_general3A_5 = tpu.matmul %get3A_1, %get3A_4, %dot_general3A {dimension_numbers = #tpu.dot_dimension_numbers<[1], [0], [0], [1], [0, 0, 1, 1], [], []>, transpose_lhs_hint = false} : vector<10000x128xf32>, vector<128x128xf32>, vector<10000x128xf32> -> vector<10000x128xf32>
    %slice3A = vector.extract_strided_slice %dot_general3A_5 {offsets = [0, 0], sizes = [10000, 64], strides = [1, 1]} : vector<10000x128xf32> to vector<10000x64xf32>
    %swap3A = arith.constant 0 : index
    %swap3A_6 = arith.constant 0 : index
    %swap3A_7 = vector.load %arg3[%swap3A, %swap3A_6] : memref<10000x64xf32, #tpu.memory_space<vmem>>, vector<10000x64xf32>
    tpu.vector_store %arg3[%swap3A, %swap3A_6], %slice3A {strides = array<i32>} : memref<10000x64xf32, #tpu.memory_space<vmem>>, vector<10000x64xf32>,
    %slice3A_8 = vector.extract_strided_slice %dot_general3A_5 {offsets = [0, 64], sizes = [10000, 64], strides = [1, 1]} : vector<10000x128xf32> to vector<10000x64xf32>
    %get3A_9 = arith.constant 0 : index
    %get3A_10 = arith.constant 0 : index
    %get3A_11 = vector.load %arg2[%get3A_9, %get3A_10] : memref<1x64xf32, #tpu.memory_space<vmem>>, vector<1x64xf32>
    %add3A = vector.broadcast %get3A_11 : vector<1x64xf32> to vector<10000x64xf32>
    %add3A_12 = arith.addf %slice3A_8, %add3A : vector<10000x64xf32>
    %swap3A_13 = arith.constant 0 : index
    %swap3A_14 = arith.constant 0 : index
    %swap3A_15 = vector.load %arg4[%swap3A_13, %swap3A_14] : memref<10000x64xf32, #tpu.memory_space<vmem>>, vector<10000x64xf32>
    tpu.vector_store %arg4[%swap3A_13, %swap3A_14], %add3A_12 {strides = array<i32>} : memref<10000x64xf32, #tpu.memory_space<vmem>>, vector<10000x64xf32>,
    return
  }
}

module attributes {stable_mosaic.version = 14 : i64} {
  func.func @body(%arg0: memref<10000x64xf32, #tpu.memory_space<vmem>>, %arg1: memref<10000x64xf32, #tpu.memory_space<vmem>>, %arg2: memref<10000x16xf32, #tpu.memory_space<vmem>>, %arg3: memref<10000x16xf32, #tpu.memory_space<vmem>>, %arg4: memref<10000x64xf32, #tpu.memory_space<vmem>>, %arg5: memref<64x2xf32, #tpu.memory_space<vmem>>, %arg6: memref<1x1xf32, #tpu.memory_space<vmem>>, %arg7: memref<10000x16xf32, #tpu.memory_space<vmem>>, %arg8: memref<10000x1xf32, #tpu.memory_space<vmem>>, %arg9: memref<10000x1xf32, #tpu.memory_space<vmem>>) attributes {dimension_semantics = [], scalar_prefetch = 0 : i64, scratch_operands = 0 : i64, tpu.core_type = #tpu.core_type<tc>} {
    %get3A = arith.constant 0 : index
    %get3A_0 = arith.constant 0 : index
    %get3A_1 = vector.load %arg2[%get3A, %get3A_0] : memref<10000x16xf32, #tpu.memory_space<vmem>>, vector<10000x16xf32>
    %get3A_2 = arith.constant 0 : index
    %get3A_3 = arith.constant 0 : index
    %get3A_4 = vector.load %arg3[%get3A_2, %get3A_3] : memref<10000x16xf32, #tpu.memory_space<vmem>>, vector<10000x16xf32>
    %add3A = arith.addf %get3A_1, %get3A_4 : vector<10000x16xf32>
    %max3A = arith.constant 1.000000e+00 : f32
    %max3A_5 = vector.broadcast %max3A : f32 to vector<10000x16xf32>
    %max3A_6 = arith.maximumf %add3A, %max3A_5 : vector<10000x16xf32>
    %slice3A = vector.extract_strided_slice %max3A_6 {offsets = [0, 0], sizes = [10000, 1], strides = [1, 1]} : vector<10000x16xf32> to vector<10000x1xf32>
    %get3A_7 = arith.constant 0 : index
    %get3A_8 = arith.constant 0 : index
    %get3A_9 = vector.load %arg0[%get3A_7, %get3A_8] : memref<10000x64xf32, #tpu.memory_space<vmem>>, vector<10000x64xf32>
    %get3A_10 = arith.constant 0 : index
    %get3A_11 = arith.constant 0 : index
    %get3A_12 = vector.load %arg1[%get3A_10, %get3A_11] : memref<10000x64xf32, #tpu.memory_space<vmem>>, vector<10000x64xf32>
    %add3A_13 = arith.addf %get3A_9, %get3A_12 : vector<10000x64xf32>
    %div3A = vector.broadcast %slice3A : vector<10000x1xf32> to vector<10000x64xf32>
    %div3A_14 = arith.divf %add3A_13, %div3A : vector<10000x64xf32>
    %get3A_15 = arith.constant 0 : index
    %get3A_16 = arith.constant 0 : index
    %get3A_17 = vector.load %arg4[%get3A_15, %get3A_16] : memref<10000x64xf32, #tpu.memory_space<vmem>>, vector<10000x64xf32>
    %add3A_18 = arith.addf %div3A_14, %get3A_17 : vector<10000x64xf32>
    %max3A_19 = arith.constant 0.000000e+00 : f32
    %max3A_20 = vector.broadcast %max3A_19 : f32 to vector<10000x64xf32>
    %max3A_21 = arith.maximumf %add3A_18, %max3A_20 : vector<10000x64xf32>
    %get3A_22 = arith.constant 0 : index
    %get3A_23 = arith.constant 0 : index
    %get3A_24 = vector.load %arg5[%get3A_22, %get3A_23] : memref<64x2xf32, #tpu.memory_space<vmem>>, vector<64x2xf32>
    %dot_general3A = arith.constant dense<0.000000e+00> : vector<10000x2xf32>
    %dot_general3A_25 = tpu.matmul %max3A_21, %get3A_24, %dot_general3A {dimension_numbers = #tpu.dot_dimension_numbers<[1], [0], [0], [1], [0, 0, 1, 1], [], []>, transpose_lhs_hint = false} : vector<10000x64xf32>, vector<64x2xf32>, vector<10000x2xf32> -> vector<10000x2xf32>
    %slice3A_26 = vector.extract_strided_slice %dot_general3A_25 {offsets = [0, 0], sizes = [10000, 1], strides = [1, 1]} : vector<10000x2xf32> to vector<10000x1xf32>
    %broadcast_in_dim3A = arith.constant 0.000000e+00 : f32
    %broadcast_in_dim3A_27 = vector.broadcast %broadcast_in_dim3A : f32 to vector<10000x15xf32>
    %concatenate3A = tpu.concatenate %slice3A_26, %broadcast_in_dim3A_27 in 1 : vector<10000x1xf32>, vector<10000x15xf32> -> vector<10000x16xf32>
    %swap3A = arith.constant 0 : index
    %swap3A_28 = arith.constant 0 : index
    %swap3A_29 = vector.load %arg7[%swap3A, %swap3A_28] : memref<10000x16xf32, #tpu.memory_space<vmem>>, vector<10000x16xf32>
    tpu.vector_store %arg7[%swap3A, %swap3A_28], %concatenate3A {strides = array<i32>} : memref<10000x16xf32, #tpu.memory_space<vmem>>, vector<10000x16xf32>,
    %slice3A_30 = vector.extract_strided_slice %dot_general3A_25 {offsets = [0, 1], sizes = [10000, 1], strides = [1, 1]} : vector<10000x2xf32> to vector<10000x1xf32>
    %get3A_31 = arith.constant 0 : index
    %get3A_32 = arith.constant 0 : index
    %get3A_33 = vector.load %arg6[%get3A_31, %get3A_32] : memref<1x1xf32, #tpu.memory_space<vmem>>, vector<1x1xf32>
    %add3A_34 = vector.broadcast %get3A_33 : vector<1x1xf32> to vector<10000x1xf32>
    %add3A_35 = arith.addf %slice3A_30, %add3A_34 : vector<10000x1xf32>
    %swap3A_36 = arith.constant 0 : index
    %swap3A_37 = arith.constant 0 : index
    %swap3A_38 = vector.load %arg8[%swap3A_36, %swap3A_37] : memref<10000x1xf32, #tpu.memory_space<vmem>>, vector<10000x1xf32>
    tpu.vector_store %arg8[%swap3A_36, %swap3A_37], %add3A_35 {strides = array<i32>} : memref<10000x1xf32, #tpu.memory_space<vmem>>, vector<10000x1xf32>,
    %swap3A_39 = arith.constant 0 : index
    %swap3A_40 = arith.constant 0 : index
    %swap3A_41 = vector.load %arg9[%swap3A_39, %swap3A_40] : memref<10000x1xf32, #tpu.memory_space<vmem>>, vector<10000x1xf32>
    tpu.vector_store %arg9[%swap3A_39, %swap3A_40], %slice3A {strides = array<i32>} : memref<10000x1xf32, #tpu.memory_space<vmem>>, vector<10000x1xf32>,
    return
  }
}

module attributes {stable_mosaic.version = 14 : i64} {
  func.func @body(%arg0: memref<10000x16xf32, #tpu.memory_space<vmem>>, %arg1: memref<10000x16xf32, #tpu.memory_space<vmem>>, %arg2: memref<10000x1xf32, #tpu.memory_space<vmem>>, %arg3: memref<10000x1xf32, #tpu.memory_space<vmem>>, %arg4: memref<10000x1xf32, #tpu.memory_space<vmem>>) attributes {dimension_semantics = [], scalar_prefetch = 0 : i64, scratch_operands = 0 : i64, tpu.core_type = #tpu.core_type<tc>} {
    %get3A = arith.constant 0 : index
    %get3A_0 = arith.constant 0 : index
    %get3A_1 = vector.load %arg0[%get3A, %get3A_0] : memref<10000x16xf32, #tpu.memory_space<vmem>>, vector<10000x16xf32>
    %get3A_2 = arith.constant 0 : index
    %get3A_3 = arith.constant 0 : index
    %get3A_4 = vector.load %arg1[%get3A_2, %get3A_3] : memref<10000x16xf32, #tpu.memory_space<vmem>>, vector<10000x16xf32>
    %add3A = arith.addf %get3A_1, %get3A_4 : vector<10000x16xf32>
    %slice3A = vector.extract_strided_slice %add3A {offsets = [0, 0], sizes = [10000, 1], strides = [1, 1]} : vector<10000x16xf32> to vector<10000x1xf32>
    %get3A_5 = arith.constant 0 : index
    %get3A_6 = arith.constant 0 : index
    %get3A_7 = vector.load %arg2[%get3A_5, %get3A_6] : memref<10000x1xf32, #tpu.memory_space<vmem>>, vector<10000x1xf32>
    %div3A = arith.divf %slice3A, %get3A_7 : vector<10000x1xf32>
    %get3A_8 = arith.constant 0 : index
    %get3A_9 = arith.constant 0 : index
    %get3A_10 = vector.load %arg3[%get3A_8, %get3A_9] : memref<10000x1xf32, #tpu.memory_space<vmem>>, vector<10000x1xf32>
    %add3A_11 = arith.addf %div3A, %get3A_10 : vector<10000x1xf32>
    %swap3A = arith.constant 0 : index
    %swap3A_12 = arith.constant 0 : index
    %swap3A_13 = vector.load %arg4[%swap3A, %swap3A_12] : memref<10000x1xf32, #tpu.memory_space<vmem>>, vector<10000x1xf32>
    tpu.vector_store %arg4[%swap3A, %swap3A_12], %add3A_11 {strides = array<i32>} : memref<10000x1xf32, #tpu.memory_space<vmem>>, vector<10000x1xf32>,
    return
  }
}

</mosaic_0001>

<sc_bundles>
// kernel: kernel.10.cloned.1.call-start
scs
__scs_entry_jumppad:
0x0: {  	(pc) =	sbr.rel $0x88, $3  }
0x1: {  	(tag) =	ssettag $0x0;
	lr =	simm.s32 $0x1  }
0x2: {  	[smem:$0x3F99] =	sst lr;
	_ =	strace $0xD0000000  }
0x3: {  	_ = 	snop  }
0x4: {  	_ = 	snop  }
0x5: {  	_ = 	snop  }
0x6: {  	_ = 	snop  }
0x7: {  	_ = 	snop  }
__scs_overlays_trampoline_lowered:
0x8: {  	[smem:$0x3FA8] =	sst s0  }
0x9: {  	[smem:$0x3FA9] =	sst s1  }
0xa: {  	[smem:$0x3FAA] =	sst s2  }
0xb: {  	[smem:$0x3FAB] =	sst s3  }
0xc: {  	[smem:$0x3FAC] =	sst s4  }
0xd: {  	[smem:$0x3FAD] =	sst s5  }
0xe: {  	[smem:$0x3FAE] =	sst s6  }
0xf: {  	[smem:$0x3FAF] =	sst s7  }
0x10: {  	[smem:$0x3FB0] =	sst s8  }
0x11: {  	[smem:$0x3FB1] =	sst s9;
	s0 =	simm.s32 @!p0 $0x0  }
0x12: {  	s1 =	sld [smem:$0x3F97];
	s0 =	simm.s32 @p0 $0x1  }
0x13: {  	[smem:$0x3FB2] =	sst s0;
	s0 =	simm.s32 @!p1 $0x0  }
0x14: {  	s2 =	sld [smem:$0x3F96];
	s0 =	simm.s32 @p1 $0x1  }
0x15: {  	[smem:$0x3FB3] =	sst s0;
	s0 =	simm.s32 @!p2 $0x0  }
0x16: {  	s3 =	sld [smem:$0x3FDB];
	s0 =	simm.s32 @p2 $0x1  }
0x17: {  	s4 =	simm.s32 $0x1BF5;
	[smem:$0x3FB5] =	sst s0  }
0x18: {  	s0 =	sld [smem:$0x3F98];
	_ =	swait.ge [sflag:s4], $0x0  }
0x19: {  	s7 =	sld [smem:$0x3F99]  }
0x1a: {  	s8 =	sadd.s32 $0xFFFFE003, lr  }
0x1b: {  	s9 =	sadd.s32 $0xFFFFFEF7, lr;
	s5 =	simm.s32 $0xFFFFFFFF;
	p2 =	slt.u32 s8, $0xFFFFF086  }
0x1c: {  	p1 =	slt.u32 s9, $0xF7A;
	s5 =	simm.s32 @!p2 $0x0  }
0x1d: {  	s5 =	simm.s32 @p1 $0x1;
	p0 =	seq.s32 s7, s2  }
0x1e: {  	s7 =	smul.u32 @!p0 $0xF7A, s2;
	p2 =	seq.s32 @!p0 s5, $0x0  }
0x1f: {  	s9 =	smul.u32 $0xF7A, s1;
	s8 =	simm.s32 @!p0 $0x1BF5;
	p2 =	por !p2, p0  }
0x20: {  	[sflag:s8] =	ssyncset.s32 @!p0 $0xFFFFF086;
	s6 =	sadd.s32 @!p0 s3, s7;
	s7 =	simm.s32 @!p0 $0x108  }
0x21: {  	s3 =	sadd.s32 s3, s9;
	s6 =	sadd.s32 @!p0 $0x88, s6;
	s7 =	simm.s32 @p2 $0x1082  }
0x22: {  	[simem:s7], [sflag:s8] =	dma.local @!p0 [hbm:s6], $0xF7A  }
0x23: {  	s9 =	sor.u32 $0xD0000000, s2;
	s6 =	simm.s32 $0x108;
	_ =	swait.ge @!p0 [sflag:s8], $0x0  }
0x24: {  	s3 =	sadd.s32 $0x88, s3;
	s6 =	simm.s32 @!p1 $0x1082;
	[sflag:s4] =	ssyncset.s32 $0xFFFFF086  }
0x25: {  	[simem:s6], [sflag:s4] =	dma.local [hbm:s3], $0xF7A  }
0x26: {  	[smem:$0x3F99] =	sst s1;
	(tag) =	ssettag s2;
	_ =	strace s9  }
0x27: {  	s1 =	sld [smem:$0x3FA9]  }
0x28: {  	s2 =	sld [smem:$0x3FAA]  }
0x29: {  	s4 =	sld [smem:$0x3FAC]  }
0x2a: {  	p0 =	seq.s32 s5, $0x0;
	s5 =	sld [smem:$0x3FAD]  }
0x2b: {  	s6 =	sld [smem:$0x3FAE]  }
0x2c: {  	s7 =	sld [smem:$0x3FAF]  }
0x2d: {  	s3 =	simm.s32 $0x108;
	s8 =	sld [smem:$0x3FB0]  }
0x2e: {  	s3 =	simm.s32 @!p0 $0x1082;
	s9 =	sld [smem:$0x3FB1]  }
0x2f: {  	lr =	sadd.s32 s0, s3;
	s0 =	sld [smem:$0x3FA8]  }
0x30: {  	s3 =	sld [smem:$0x3FAB]  }
0x31: {  	[smem:$0x3FB4] =	sst s10  }
0x32: {  	s10 =	sld [smem:$0x3FB2];
	_ =	sdelay $0x3  }
0x33: {  	p0 =	seq.s32 s10, $0x1;
	s10 =	sld [smem:$0x3FB4];
	_ =	sdelay $0x3  }
0x34: {  	[smem:$0x3FB4] =	sst s10  }
0x35: {  	s10 =	sld [smem:$0x3FB3];
	_ =	sdelay $0x3  }
0x36: {  	p1 =	seq.s32 s10, $0x1;
	s10 =	sld [smem:$0x3FB4];
	_ =	sdelay $0x3  }
0x37: {  	[smem:$0x3FB4] =	sst s10  }
0x38: {  	s10 =	sld [smem:$0x3FB5]  }
0x39: {  	_ = 	snop;
	(pc) =	sbr.ind lr, $3  }
0x3a: {  	_ = 	snop  }
0x3b: {  	_ = 	snop  }
0x3c: {  	p2 =	seq.s32 s10, $0x1;
	s10 =	sld [smem:$0x3FB4]  }
0x3d: {  	_ =	shalt  }
0x3e: {  	_ =	shalt  }
0x3f: {  	_ =	shalt  }
0x40: {  	_ =	shalt  }
0x41: {  	_ =	shalt  }
0x42: {  	_ =	shalt  }
0x43: {  	_ =	shalt  }
0x44: {  	_ =	shalt  }
0x45: {  	_ =	shalt  }
0x46: {  	_ =	shalt  }
0x47: {  	_ =	shalt  }
0x48: {  	_ =	shalt  }
0x49: {  	_ =	shalt  }
0x4a: {  	_ =	shalt  }
0x4b: {  	_ =	shalt  }
0x4c: {  	_ =	shalt  }
0x4d: {  	_ =	shalt  }
0x4e: {  	_ =	shalt  }
0x4f: {  	_ =	shalt  }
0x50: {  	_ =	shalt  }
0x51: {  	_ =	shalt  }
0x52: {  	_ =	shalt  }
0x53: {  	_ =	shalt  }
0x54: {  	_ =	shalt  }
0x55: {  	_ =	shalt  }
0x56: {  	_ =	shalt  }
0x57: {  	_ =	shalt  }
0x58: {  	_ =	shalt  }
0x59: {  	_ =	shalt  }
0x5a: {  	_ =	shalt  }
0x5b: {  	_ =	shalt  }
0x5c: {  	_ =	shalt  }
0x5d: {  	_ =	shalt  }
0x5e: {  	_ =	shalt  }
0x5f: {  	_ =	shalt  }
0x60: {  	_ =	shalt  }
0x61: {  	_ =	shalt  }
0x62: {  	_ =	shalt  }
0x63: {  	_ =	shalt  }
0x64: {  	_ =	shalt  }
0x65: {  	_ =	shalt  }
0x66: {  	_ =	shalt  }
0x67: {  	_ =	shalt  }
0x68: {  	_ =	shalt  }
0x69: {  	_ =	shalt  }
0x6a: {  	_ =	shalt  }
0x6b: {  	_ =	shalt  }
0x6c: {  	_ =	shalt  }
0x6d: {  	_ =	shalt  }
0x6e: {  	_ =	shalt  }
0x6f: {  	_ =	shalt  }
0x70: {  	_ =	shalt  }
0x71: {  	_ =	shalt  }
0x72: {  	_ =	shalt  }
0x73: {  	_ =	shalt  }
0x74: {  	_ =	shalt  }
0x75: {  	_ =	shalt  }
0x76: {  	_ =	shalt  }
0x77: {  	_ =	shalt  }
0x78: {  	_ =	shalt  }
0x79: {  	_ =	shalt  }
0x7a: {  	_ =	shalt  }
0x7b: {  	_ =	shalt  }
0x7c: {  	_ =	shalt  }
0x7d: {  	_ =	shalt  }
0x7e: {  	_ =	shalt  }
0x7f: {  	_ =	shalt  }
0x80: {  	_ =	shalt  }
0x81: {  	_ =	shalt  }
0x82: {  	_ =	shalt  }
0x83: {  	_ =	shalt  }
0x84: {  	_ =	shalt  }
0x85: {  	_ =	shalt  }
0x86: {  	_ =	shalt  }
0x87: {  	_ =	shalt  }
.Lfunc_end0:
.L_simem_size_0:
called_computation.1_lowered:
.L_overlay_start_0:
0x88: {  	s2 =	sld [smem:$0x3FD9]  }
0x89: {  	s3 =	sld [smem:$0x3FFE];
	_ =	sdelay $0x1  }
0x8a: {  	s1 =	srdreg.scid  }
0x8b: {  	s0 =	sand.u32 $0x1, s1  }
0x8c: {  	s16 =	sshll.u32 s0, $0xA;
	s2 =	sadd.s32 s3, s2  }
0x8d: {  	s2 =	sadd.s32 s2, s16  }
0x8e: {  	[smem:$0x3FC0] =	sst s2  }
0x8f: {  	_ = 	snop  }
0x90: {  	(tm) =	ssettm $0x1  }
0x91: {  	s17 =	sld [smem:$0x3FFB];
	_ =	sdelay $0x3  }
0x92: {  	_ =	strace s17  }
0x93: {  	s2 =	sld [smem:$0x3FFC];
	_ =	sdelay $0x3  }
0x94: {  	_ =	strace s2  }
0x95: {  	s2 =	sld [smem:$0x3FFD];
	_ =	sdelay $0x3  }
0x96: {  	_ =	strace s2  }
0x97: {  	_ =	strace $0x8FFFFFFF  }
0x98: {  	s18 =	sld [smem:$0x3FDB];
	_ =	sdelay $0x1  }
0x99: {  	s19 =	simm.s32 $_scs_section_size  }
0x9a: {  	s4 =	simm.s32 $_size__tile_overlayer_lowered;
	s5 =	simm.s32 $_tile_overlayer_lowered  }
0x9b: {  	s22 =	simm.s32 $0x1BFF;
	s21 =	sshll.u32 s5, $0x1;
	s2 =	sadd.s32 s19, s18  }
0x9c: {  	s6 =	simm.s32 $0x0;
	s20 =	sshll.u32 s4, $0x1;
	s4 =	sadd.s32 s21, s2  }
0x9d: {  	[timem:s6], [sflag:s22] =	dma.local [hbm:s4], s20  }
0x9e: {  	_ =	swait.ge [sflag:s22], s20  }
0x9f: {  	s3 =	ssub.s32 $0x0, s20;
	[sflag:s22] =	ssyncset.done $0x0  }
0xa0: {  	[sflag:s22] =	ssyncadd.s32 s3;
	_ =	sdelay $0x1  }
0xa1: {  	s23 =	simm.s32 $0x1B8B  }
0xa2: {  	_ =	swait.ge [sflag:s23], $0x1  }
0xa3: {  	[sflag:s23] =	ssyncset.done $0x0  }
0xa4: {  	s25 =	simm.s32 $0x1B8E;
	s24 =	sld [smem:$0x3FFE];
	[sflag:s23] =	ssyncadd.s32 $0xFFFFFFFF  }
0xa5: {  	s26 =	simm.s32 $execute0_lowered;
	[smem:$0x3FD2] =	sst s25  }
0xa6: {  	s4 =	sshll.u32 s26, $0x1;
	_ =	strace $0x80000049;
	[dreg:$0x1] =	wrdreg $0xFFFFFFFF  }
0xa7: {  	s28 =	simm.s32 $_size_execute0_lowered;
	s2 =	sadd.s32 s2, s4;
	[dreg:$0x0] =	wrdreg $0x0  }
0xa8: {  	s4 =	sshll.u32 s28, $0x1;
	[dreg:$0x2] =	wrdreg s2  }
0xa9: {  	[dreg:$0x3] =	wrdreg s4  }
0xaa: {  	[dreg:$0x4] =	wrdreg $0xC0  }
0xab: {  	_ =	task [dreg:s6], $0x5FFFF  }
0xac: {  	[dreg:$0x1] =	wrdreg $0xFFFFFFFF  }
0xad: {  	[dreg:$0x0] =	wrdreg $0x60  }
0xae: {  	[dreg:$0x2] =	wrdreg s24  }
0xaf: {  	[dreg:$0x3] =	wrdreg $0x7E400  }
0xb0: {  	[dreg:$0x4] =	wrdreg $0x9  }
0xb1: {  	_ =	task.clear_ibuf [dreg:s6], $0x5FFFF;
	_ =	strace $0x90000049  }
0xb2: {  	s29 =	simm.s32 $0x9;
	_ =	strace $0x8000004B  }
0xb3: {  	_ =	swait.ge [sflag:s29], $0x1  }
0xb4: {  	[sflag:s29] =	ssyncadd.s32 $0xFFFFFFFF  }
0xb5: {  	_ =	strace $0x9000004B  }
0xb6: {  	_ =	sfence  }
0xb7: {  	s30 =	sld [smem:$0x0];
	_ =	sdelay $0x2  }
0xb8: {  	s31 =	sshll.u32 s1, $0xD;
	s1 =	sshrl.u32 s1, $0x2  }
0xb9: {  	s3 =	sand.u32 $0x4000, s31;
	s1 =	sadd.s32 s1, s30  }
0xba: {  	s0 =	sor.u32 s3, s0;
	s1 =	sshll.u32 s1, $0x11  }
0xbb: {  	s0 =	sor.u32 s1, s0  }
0xbc: {  	s0 =	sadd.s32 $0x8F2B, s0  }
0xbd: {  	[sflag:s0] =	ssyncadd.remote.s32 $0x1  }
0xbe: {  	_ =	sfence.sel $0xFFFF  }
0xbf: {  	[dreg:$0x0] =	wrdreg $0xFFFFFFFF;
	(pc) =	sbr.abs _section_cstart, $3  }
0xc0: {  	[dreg:$0x1] =	wrdreg $0xFFFFFFFF  }
0xc1: {  	_ =	task.clear_ibuf [dreg:s6], $0x2FFFF;
	_ =	strace $0x9FFFFFFF  }
0xc2: {  	(tm) =	ssettm $0x7FFFFFFF  }
0xc3: {  	_ =	shalt  }
tec
execute0_lowered:
.L_overlay_start_1:
0x0: {  	(tag) =	ssettag $0x1  }
0x1: {  	s6 =	rddreg [dreg:$0x0]  }
0x2: {  	s2 =	rddreg [dreg:$0x1];
	s3 =	srdreg.scid  }
0x3: {  	s0 =	rddreg [dreg:$0x2];
	s1 =	stileid.u32  }
0x4: {  	s13 =	simm.s32 $0x2780;
	s14 =	simm.s32 $0x80;
	s15 =	simm.s32 $0x4F00  }
0x5: {  	s16 =	simm.s32 $0x1;
	s17 =	simm.s32 $0x0;
	s5 =	sand.u32 $0x1, s3  }
0x6: {  	s3 =	simm.s32 $0x0;
	s7 =	smul.u32 $0x2740, s1;
	s4 =	sshll.u32 s5, $0x4  }
0x7: {  	[smem:$0x7FF] =	sst s3;
	s8 =	smul.u32 $0x27400, s5;
	s10 =	ssub.s32 $0x2, s5  }
0x8: {  	s5 =	sadd.s32 $0x28E00, s6;
	s4 =	sor.u32 s1, s4;
	_ =	strace $0x8000004A  }
0x9: {  	s11 =	sshrl.u32 s10, $0x1;
	s9 =	smul.u32 $0x4F0, s4;
	s4 =	sadd.s32 $0x1800, s6  }
0xa: {  	s8 =	sadd.s32 s7, s8;
	s10 =	ssub.s32 s10, s11;
	s11 =	simm.s32 $0x5700  }
0xb: {  	s8 =	sshrl.u32 s8, $0x3;
	s10 =	smax.u32 s10, $0x1;
	s9 =	sadd.s32 s9, s6  }
0xc: {  	s12 =	sadd.s32 s8, s6;
	s6 =	sadd.s32 s7, s2;
	s7 =	sadd.s32 $0x1F000, s9  }
0xd: {  	s8 =	sadd.s32 $0x15200, s9;
	s9 =	sadd.s32 $0x6800, s12;
	s12 =	simm.s32 $0x2  }
.LBB2_1:
0xe: {  	[tilespmem:s11], [sflag:$0x2] =	stream.linear.gather [hbm4b:s5+s3], $0x2740, $0x38;
	[tilespmem:$0xA580] =	vst v63  }
0xf: {  	_ =	swait.ge [sflag:s12], $0x2740  }
0x10: {  	[sflag:s12] =	ssyncset.done $0x0  }
0x11: {  	[sflag:s12] =	ssyncadd.s32 $0xFFFFD8C0  }
0x12: {  	[spmem:s6] =	stream.linear.scatter [tilespmem:s11], [sflag:$0x2], $0x2740, $0x38;
	[tilespmem:$0xA580] =	vst v63  }
0x13: {  	_ =	swait.ge [sflag:s12], $0x2740  }
0x14: {  	[sflag:s12] =	ssyncset.done $0x0  }
0x15: {  	[sflag:s12] =	ssyncadd.s32 $0xFFFFD8C0  }
0x16: {  	[tilespmem:s3], [sflag:$0x2] =	stream.linear.gather [hbm4b:s7+s3], $0x2780, $0x38;
	[tilespmem:$0xA580] =	vst v63  }
0x17: {  	_ =	swait.ge [sflag:s12], $0x2780  }
0x18: {  	[sflag:s12] =	ssyncset.done $0x0  }
0x19: {  	[sflag:s12] =	ssyncadd.s32 $0xFFFFD880  }
0x1a: {  	[tilespmem:s13], [sflag:$0x2] =	stream.linear.gather [hbm4b:s8+s3], $0x2780, $0x38;
	[tilespmem:$0xA580] =	vst v63  }
0x1b: {  	_ =	swait.ge [sflag:s12], $0x2780  }
0x1c: {  	[sflag:s12] =	ssyncset.done $0x0  }
0x1d: {  	[sflag:s12] =	ssyncadd.s32 $0xFFFFD880  }
0x1e: {  	s18 =	simm.s32 $0x0;
	[bflag:$0x0] =	sbarrier.arrive $0xFFFF  }
0x1f: {  	[tilespmem:s15], [sflag:$0x1] =	stream.indirect.gather [hbm4b:s4+s14], $0x10, s18, s14, $0xb8;
	[tilespmem:$0xA580] =	vst v63  }
0x20: {  	_ =	swait.ge [sflag:s16], $0x800  }
0x21: {  	[sflag:s16] =	ssyncset.done $0x0  }
0x22: {  	s31 =	simm.s32 $0x2780;
	[sflag:s16] =	ssyncadd.s32 $0xFFFFF800  }
0x23: {  	[spmem:s2] =	stream.indirect.scatter.add.f32 [tilespmem:s15], [sflag:$0x2], $0x10, s31, s14, $0xb8;
	[tilespmem:$0xA580] =	vst v63  }
0x24: {  	_ =	swait.ge [sflag:s12], $0x800  }
0x25: {  	s19 =	simm.s32 $0x400;
	s18 =	simm.s32 $0x200;
	[sflag:s12] =	ssyncset.done $0x0  }
.LBB2_2:
0x26: {  	s20 =	sshra.s32 s18, $0x2  }
0x27: {  	[sflag:s12] =	ssyncadd.s32 $0xFFFFF800;
	s18 =	smov.u32 s19;
	s21 =	sadd.s32 $0x200, s19  }
0x28: {  	[tilespmem:s15], [sflag:$0x1] =	stream.indirect.gather [hbm4b:s4+s14], $0x10, s20, s14, $0xb8;
	[tilespmem:$0xA580] =	vst v63  }
0x29: {  	p0 =	sne.s32 s19, $0x9C00;
	_ =	swait.ge [sflag:s16], $0x800  }
.Ltmp0:
0x2a: {  	[sflag:s16] =	ssyncset.done $0x0;
	(pc) =	sbr.rel @p0 .LBB2_2-.Ltmp0, $4  }
0x2b: {  	s19 =	sadd.s32 $0x2780, s20;
	[sflag:s16] =	ssyncadd.s32 $0xFFFFF800  }
0x2c: {  	[spmem:s2] =	stream.indirect.scatter.add.f32 [tilespmem:s15], [sflag:$0x2], $0x10, s19, s14, $0xb8;
	[tilespmem:$0xA580] =	vst v63  }
0x2d: {  	_ =	swait.ge [sflag:s12], $0x800  }
0x2e: {  	s19 =	smov.u32 s21;
	[sflag:s12] =	ssyncset.done $0x0  }
0x2f: {  	s18 =	sshra.s32 s18, $0x2;
	[sflag:s12] =	ssyncadd.s32 $0xFFFFF800  }
0x30: {  	[tilespmem:s15], [sflag:$0x1] =	stream.indirect.gather [hbm4b:s4+s14], $0x10, s18, s14, $0xb8;
	[tilespmem:$0xA580] =	vst v63  }
0x31: {  	_ =	swait.ge [sflag:s16], $0x800  }
0x32: {  	[sflag:s16] =	ssyncset.done $0x0  }
0x33: {  	s18 =	sadd.s32 $0x2780, s18;
	[sflag:s16] =	ssyncadd.s32 $0xFFFFF800  }
0x34: {  	[spmem:s2] =	stream.indirect.scatter.add.f32 [tilespmem:s15], [sflag:$0x2], $0x10, s18, s14, $0xb8;
	[tilespmem:$0xA580] =	vst v63  }
0x35: {  	_ =	swait.ge [sflag:s12], $0x800  }
0x36: {  	[sflag:s12] =	ssyncset.done $0x0  }
0x37: {  	[sflag:s12] =	ssyncadd.s32 $0xFFFFF800  }
0x38: {  	[bflag:$0x0] =	sbarrier.arrive $0xFFFF  }
0x39: {  	[tilespmem:s11], [sflag:$0x2] =	stream.linear.gather [spmem:s6], $0x2740, $0x38;
	[tilespmem:$0xA580] =	vst v63  }
0x3a: {  	s17 =	sadd.s32 $0x1, s17;
	_ =	swait.ge [sflag:s12], $0x2740  }
0x3b: {  	p0 =	sne.s32 s17, s10;
	[sflag:s12] =	ssyncset.done $0x0  }
.Ltmp1:
0x3c: {  	[sflag:s12] =	ssyncadd.s32 $0xFFFFD8C0;
	(pc) =	sbr.rel @p0 .LBB2_1-.Ltmp1, $4  }
0x3d: {  	[hbm4b:s9+s3] =	stream.linear.scatter [tilespmem:s11], [sflag:$0x2], $0x2740, $0x38;
	[tilespmem:$0xA580] =	vst v63  }
0x3e: {  	_ =	swait.ge [sflag:s12], $0x2740  }
0x3f: {  	[sflag:s12] =	ssyncset.done $0x0  }
0x40: {  	[sflag:s12] =	ssyncadd.s32 $0xFFFFD8C0  }
0x41: {  	_ =	sfence.sel $0x180000  }
0x42: {  	[bflag:$0x0] =	sbarrier.arrive $0xFFFF  }
0x43: {  	p0 =	sne.s32 s1, $0x0;
	_ =	strace $0x9000004A  }
0x44: {  	s0 =	sadd.s32 @!p0 $0x100000, s0;
	[bflag:$0x2] =	sbarrier.arrive $0xFFFF  }
0x45: {  	[sflag:s0] =	ssyncadd.tile.s32 @!p0 $0x1;
	_ =	shalt  }
.Lfunc_end2:
_tile_overlayer_lowered:
.L_overlay_start_2:
0x46: {  	(tag) =	ssettag $0x2  }
0x47: {  	s0 =	rddreg [dreg:$0x0];
	s2 =	stileid.u32  }
0x48: {  	s1 =	rddreg [dreg:$0x1];
	p0 =	sne.s32 s2, $0x0  }
0x49: {  	s3 =	rddreg [dreg:$0x2];
	[bflag:$0x3] =	sbarrier.arrive $0xFFFF;
	s2 =	simm.s32 @!p0 $0x1C02  }
0x4a: {  	[timem:s3], [sflag:s2] =	dma.local @!p0 [hbm:s0], s1  }
0x4b: {  	s0 =	simm.s32 @!p0 $0x2  }
0x4c: {  	_ =	swait.ge @!p0 [sflag:s0], s1  }
0x4d: {  	s1 =	ssub.s32 @!p0 $0x0, s1;
	[sflag:s0] =	ssyncset.done @!p0 $0x0  }
0x4e: {  	[sflag:s0] =	ssyncadd.s32 @!p0 s1  }
0x4f: {  	[bflag:$0x3] =	sbarrier.arrive $0xFFFF  }
0x50: {  	_ =	shalt  }

// kernel: kernel.7.cloned.1.call-start
scs
__scs_entry_jumppad:
0x0: {  	(pc) =	sbr.rel $0x88, $3  }
0x1: {  	(tag) =	ssettag $0x0;
	lr =	simm.s32 $0x1  }
0x2: {  	[smem:$0x3F99] =	sst lr;
	_ =	strace $0xD0000000  }
0x3: {  	_ = 	snop  }
0x4: {  	_ = 	snop  }
0x5: {  	_ = 	snop  }
0x6: {  	_ = 	snop  }
0x7: {  	_ = 	snop  }
__scs_overlays_trampoline_lowered:
0x8: {  	[smem:$0x3FA8] =	sst s0  }
0x9: {  	[smem:$0x3FA9] =	sst s1  }
0xa: {  	[smem:$0x3FAA] =	sst s2  }
0xb: {  	[smem:$0x3FAB] =	sst s3  }
0xc: {  	[smem:$0x3FAC] =	sst s4  }
0xd: {  	[smem:$0x3FAD] =	sst s5  }
0xe: {  	[smem:$0x3FAE] =	sst s6  }
0xf: {  	[smem:$0x3FAF] =	sst s7  }
0x10: {  	[smem:$0x3FB0] =	sst s8  }
0x11: {  	[smem:$0x3FB1] =	sst s9;
	s0 =	simm.s32 @!p0 $0x0  }
0x12: {  	s1 =	sld [smem:$0x3F97];
	s0 =	simm.s32 @p0 $0x1  }
0x13: {  	[smem:$0x3FB2] =	sst s0;
	s0 =	simm.s32 @!p1 $0x0  }
0x14: {  	s2 =	sld [smem:$0x3F96];
	s0 =	simm.s32 @p1 $0x1  }
0x15: {  	[smem:$0x3FB3] =	sst s0;
	s0 =	simm.s32 @!p2 $0x0  }
0x16: {  	s3 =	sld [smem:$0x3FDB];
	s0 =	simm.s32 @p2 $0x1  }
0x17: {  	s4 =	simm.s32 $0x1BF5;
	[smem:$0x3FB5] =	sst s0  }
0x18: {  	s0 =	sld [smem:$0x3F98];
	_ =	swait.ge [sflag:s4], $0x0  }
0x19: {  	s7 =	sld [smem:$0x3F99]  }
0x1a: {  	s8 =	sadd.s32 $0xFFFFE003, lr  }
0x1b: {  	s9 =	sadd.s32 $0xFFFFFEF7, lr;
	s5 =	simm.s32 $0xFFFFFFFF;
	p2 =	slt.u32 s8, $0xFFFFF086  }
0x1c: {  	p1 =	slt.u32 s9, $0xF7A;
	s5 =	simm.s32 @!p2 $0x0  }
0x1d: {  	s5 =	simm.s32 @p1 $0x1;
	p0 =	seq.s32 s7, s2  }
0x1e: {  	s7 =	smul.u32 @!p0 $0xF7A, s2;
	p2 =	seq.s32 @!p0 s5, $0x0  }
0x1f: {  	s9 =	smul.u32 $0xF7A, s1;
	s8 =	simm.s32 @!p0 $0x1BF5;
	p2 =	por !p2, p0  }
0x20: {  	[sflag:s8] =	ssyncset.s32 @!p0 $0xFFFFF086;
	s6 =	sadd.s32 @!p0 s3, s7;
	s7 =	simm.s32 @!p0 $0x108  }
0x21: {  	s3 =	sadd.s32 s3, s9;
	s6 =	sadd.s32 @!p0 $0x88, s6;
	s7 =	simm.s32 @p2 $0x1082  }
0x22: {  	[simem:s7], [sflag:s8] =	dma.local @!p0 [hbm:s6], $0xF7A  }
0x23: {  	s9 =	sor.u32 $0xD0000000, s2;
	s6 =	simm.s32 $0x108;
	_ =	swait.ge @!p0 [sflag:s8], $0x0  }
0x24: {  	s3 =	sadd.s32 $0x88, s3;
	s6 =	simm.s32 @!p1 $0x1082;
	[sflag:s4] =	ssyncset.s32 $0xFFFFF086  }
0x25: {  	[simem:s6], [sflag:s4] =	dma.local [hbm:s3], $0xF7A  }
0x26: {  	[smem:$0x3F99] =	sst s1;
	(tag) =	ssettag s2;
	_ =	strace s9  }
0x27: {  	s1 =	sld [smem:$0x3FA9]  }
0x28: {  	s2 =	sld [smem:$0x3FAA]  }
0x29: {  	s4 =	sld [smem:$0x3FAC]  }
0x2a: {  	p0 =	seq.s32 s5, $0x0;
	s5 =	sld [smem:$0x3FAD]  }
0x2b: {  	s6 =	sld [smem:$0x3FAE]  }
0x2c: {  	s7 =	sld [smem:$0x3FAF]  }
0x2d: {  	s3 =	simm.s32 $0x108;
	s8 =	sld [smem:$0x3FB0]  }
0x2e: {  	s3 =	simm.s32 @!p0 $0x1082;
	s9 =	sld [smem:$0x3FB1]  }
0x2f: {  	lr =	sadd.s32 s0, s3;
	s0 =	sld [smem:$0x3FA8]  }
0x30: {  	s3 =	sld [smem:$0x3FAB]  }
0x31: {  	[smem:$0x3FB4] =	sst s10  }
0x32: {  	s10 =	sld [smem:$0x3FB2];
	_ =	sdelay $0x3  }
0x33: {  	p0 =	seq.s32 s10, $0x1;
	s10 =	sld [smem:$0x3FB4];
	_ =	sdelay $0x3  }
0x34: {  	[smem:$0x3FB4] =	sst s10  }
0x35: {  	s10 =	sld [smem:$0x3FB3];
	_ =	sdelay $0x3  }
0x36: {  	p1 =	seq.s32 s10, $0x1;
	s10 =	sld [smem:$0x3FB4];
	_ =	sdelay $0x3  }
0x37: {  	[smem:$0x3FB4] =	sst s10  }
0x38: {  	s10 =	sld [smem:$0x3FB5]  }
0x39: {  	_ = 	snop;
	(pc) =	sbr.ind lr, $3  }
0x3a: {  	_ = 	snop  }
0x3b: {  	_ = 	snop  }
0x3c: {  	p2 =	seq.s32 s10, $0x1;
	s10 =	sld [smem:$0x3FB4]  }
0x3d: {  	_ =	shalt  }
0x3e: {  	_ =	shalt  }
0x3f: {  	_ =	shalt  }
0x40: {  	_ =	shalt  }
0x41: {  	_ =	shalt  }
0x42: {  	_ =	shalt  }
0x43: {  	_ =	shalt  }
0x44: {  	_ =	shalt  }
0x45: {  	_ =	shalt  }
0x46: {  	_ =	shalt  }
0x47: {  	_ =	shalt  }
0x48: {  	_ =	shalt  }
0x49: {  	_ =	shalt  }
0x4a: {  	_ =	shalt  }
0x4b: {  	_ =	shalt  }
0x4c: {  	_ =	shalt  }
0x4d: {  	_ =	shalt  }
0x4e: {  	_ =	shalt  }
0x4f: {  	_ =	shalt  }
0x50: {  	_ =	shalt  }
0x51: {  	_ =	shalt  }
0x52: {  	_ =	shalt  }
0x53: {  	_ =	shalt  }
0x54: {  	_ =	shalt  }
0x55: {  	_ =	shalt  }
0x56: {  	_ =	shalt  }
0x57: {  	_ =	shalt  }
0x58: {  	_ =	shalt  }
0x59: {  	_ =	shalt  }
0x5a: {  	_ =	shalt  }
0x5b: {  	_ =	shalt  }
0x5c: {  	_ =	shalt  }
0x5d: {  	_ =	shalt  }
0x5e: {  	_ =	shalt  }
0x5f: {  	_ =	shalt  }
0x60: {  	_ =	shalt  }
0x61: {  	_ =	shalt  }
0x62: {  	_ =	shalt  }
0x63: {  	_ =	shalt  }
0x64: {  	_ =	shalt  }
0x65: {  	_ =	shalt  }
0x66: {  	_ =	shalt  }
0x67: {  	_ =	shalt  }
0x68: {  	_ =	shalt  }
0x69: {  	_ =	shalt  }
0x6a: {  	_ =	shalt  }
0x6b: {  	_ =	shalt  }
0x6c: {  	_ =	shalt  }
0x6d: {  	_ =	shalt  }
0x6e: {  	_ =	shalt  }
0x6f: {  	_ =	shalt  }
0x70: {  	_ =	shalt  }
0x71: {  	_ =	shalt  }
0x72: {  	_ =	shalt  }
0x73: {  	_ =	shalt  }
0x74: {  	_ =	shalt  }
0x75: {  	_ =	shalt  }
0x76: {  	_ =	shalt  }
0x77: {  	_ =	shalt  }
0x78: {  	_ =	shalt  }
0x79: {  	_ =	shalt  }
0x7a: {  	_ =	shalt  }
0x7b: {  	_ =	shalt  }
0x7c: {  	_ =	shalt  }
0x7d: {  	_ =	shalt  }
0x7e: {  	_ =	shalt  }
0x7f: {  	_ =	shalt  }
0x80: {  	_ =	shalt  }
0x81: {  	_ =	shalt  }
0x82: {  	_ =	shalt  }
0x83: {  	_ =	shalt  }
0x84: {  	_ =	shalt  }
0x85: {  	_ =	shalt  }
0x86: {  	_ =	shalt  }
0x87: {  	_ =	shalt  }
.Lfunc_end0:
.L_simem_size_0:
called_computation_lowered:
.L_overlay_start_0:
0x88: {  	s2 =	sld [smem:$0x3FD9]  }
0x89: {  	s3 =	sld [smem:$0x3FFE];
	_ =	sdelay $0x1  }
0x8a: {  	s1 =	srdreg.scid  }
0x8b: {  	s0 =	sand.u32 $0x1, s1  }
0x8c: {  	s17 =	sshll.u32 s0, $0xA;
	s2 =	sadd.s32 s3, s2  }
0x8d: {  	s2 =	sadd.s32 s2, s17  }
0x8e: {  	[smem:$0x3FC0] =	sst s2  }
0x8f: {  	_ = 	snop  }
0x90: {  	s2 =	sld [smem:$0x3FD0];
	(tm) =	ssettm $0x1  }
0x91: {  	s18 =	sld [smem:$0x3FFB];
	_ =	sdelay $0x3  }
0x92: {  	_ =	strace s18  }
0x93: {  	s3 =	sld [smem:$0x3FFC];
	_ =	sdelay $0x3  }
0x94: {  	_ =	strace s3  }
0x95: {  	s3 =	sld [smem:$0x3FFD];
	_ =	sdelay $0x3  }
0x96: {  	_ =	strace s3  }
0x97: {  	_ =	strace $0x8FFFFFFF  }
0x98: {  	s19 =	sld [smem:$0x3FDB];
	_ =	sdelay $0x1  }
0x99: {  	s4 =	simm.s32 $_scs_section_size  }
0x9a: {  	s5 =	simm.s32 $_size__tile_overlayer_lowered;
	s6 =	simm.s32 $_tile_overlayer_lowered  }
0x9b: {  	s22 =	simm.s32 $0x1BFF;
	s21 =	sshll.u32 s6, $0x1;
	s3 =	sadd.s32 s4, s19  }
0x9c: {  	s7 =	simm.s32 $0x0;
	s20 =	sshll.u32 s5, $0x1;
	s5 =	sadd.s32 s21, s3  }
0x9d: {  	[timem:s7], [sflag:s22] =	dma.local [hbm:s5], s20  }
0x9e: {  	_ =	swait.ge [sflag:s22], s20  }
0x9f: {  	s4 =	ssub.s32 $0x0, s20;
	[sflag:s22] =	ssyncset.done $0x0  }
0xa0: {  	[sflag:s22] =	ssyncadd.s32 s4;
	_ =	sdelay $0x1  }
0xa1: {  	s23 =	simm.s32 $0x1B8B  }
0xa2: {  	_ =	swait.ge [sflag:s23], $0x1  }
0xa3: {  	[sflag:s23] =	ssyncset.done $0x0  }
0xa4: {  	s25 =	simm.s32 $0x1B8E;
	s24 =	sld [smem:$0x3FFE];
	[sflag:s23] =	ssyncadd.s32 $0xFFFFFFFF  }
0xa5: {  	s26 =	simm.s32 $execute0_lowered;
	[smem:$0x3FD2] =	sst s25  }
0xa6: {  	s5 =	sshll.u32 s26, $0x1;
	_ =	strace $0x80000046;
	[dreg:$0x1] =	wrdreg $0xFFFFFFFF  }
0xa7: {  	s28 =	simm.s32 $_size_execute0_lowered;
	s3 =	sadd.s32 s3, s5;
	[dreg:$0x0] =	wrdreg $0x0  }
0xa8: {  	s5 =	sshll.u32 s28, $0x1;
	[dreg:$0x2] =	wrdreg s3  }
0xa9: {  	[dreg:$0x3] =	wrdreg s5  }
0xaa: {  	[dreg:$0x4] =	wrdreg $0xC0  }
0xab: {  	_ =	task [dreg:s7], $0x5FFFF  }
0xac: {  	[dreg:$0x1] =	wrdreg $0xFFFFFFFF  }
0xad: {  	[dreg:$0x0] =	wrdreg $0x60  }
0xae: {  	[dreg:$0x2] =	wrdreg s24  }
0xaf: {  	[dreg:$0x3] =	wrdreg s2  }
0xb0: {  	[dreg:$0x4] =	wrdreg $0x10C000  }
0xb1: {  	[dreg:$0x5] =	wrdreg $0x1D8400  }
0xb2: {  	[dreg:$0x6] =	wrdreg $0x9  }
0xb3: {  	_ =	task.clear_ibuf [dreg:s7], $0x7FFFF;
	_ =	strace $0x90000046  }
0xb4: {  	s29 =	simm.s32 $0x9;
	_ =	strace $0x80000048  }
0xb5: {  	_ =	swait.ge [sflag:s29], $0x1  }
0xb6: {  	[sflag:s29] =	ssyncadd.s32 $0xFFFFFFFF  }
0xb7: {  	_ =	strace $0x90000048  }
0xb8: {  	_ =	sfence  }
0xb9: {  	s30 =	sld [smem:$0x0];
	_ =	sdelay $0x2  }
0xba: {  	s31 =	sshll.u32 s1, $0xD;
	s1 =	sshrl.u32 s1, $0x2  }
0xbb: {  	s3 =	sand.u32 $0x4000, s31;
	s1 =	sadd.s32 s1, s30  }
0xbc: {  	s0 =	sor.u32 s3, s0;
	s1 =	sshll.u32 s1, $0x11  }
0xbd: {  	s0 =	sor.u32 s1, s0  }
0xbe: {  	s0 =	sadd.s32 $0x8F2B, s0  }
0xbf: {  	[sflag:s0] =	ssyncadd.remote.s32 $0x1  }
0xc0: {  	_ =	sfence.sel $0xFFFF  }
0xc1: {  	[dreg:$0x0] =	wrdreg $0xFFFFFFFF;
	(pc) =	sbr.abs _section_cstart, $3  }
0xc2: {  	[dreg:$0x1] =	wrdreg $0xFFFFFFFF  }
0xc3: {  	_ =	task.clear_ibuf [dreg:s7], $0x2FFFF;
	_ =	strace $0x9FFFFFFF  }
0xc4: {  	(tm) =	ssettm $0x7FFFFFFF  }
0xc5: {  	_ =	shalt  }
tec
execute0_lowered:
.L_overlay_start_1:
0x0: {  	(tag) =	ssettag $0x1  }
0x1: {  	s9 =	rddreg [dreg:$0x0]  }
0x2: {  	s1 =	rddreg [dreg:$0x1]  }
0x3: {  	s3 =	rddreg [dreg:$0x2]  }
0x4: {  	s0 =	srdreg.scid;
	s4 =	rddreg [dreg:$0x3]  }
0x5: {  	s5 =	simm.s32 $0x0;
	s18 =	simm.s32 $0x1A900;
	s19 =	simm.s32 $0x1B100  }
0x6: {  	s20 =	simm.s32 $0x2780;
	s21 =	simm.s32 $0x80;
	s22 =	simm.s32 $0x4F00  }
0x7: {  	s23 =	simm.s32 $0x1;
	s10 =	sand.u32 $0x1, s0;
	s0 =	stileid.u32  }
0x8: {  	s24 =	simm.s32 $0x0;
	[smem:$0x7FF] =	sst s5;
	s11 =	smul.u32 $0x9D00, s0  }
0x9: {  	s6 =	sadd.s32 $0x1800, s9;
	s8 =	sadd.s32 $0x28E00, s9;
	s12 =	smul.u32 $0x9D000, s10  }
0xa: {  	s2 =	sshll.u32 s10, $0x4;
	s15 =	smul.u32 $0x27400, s10;
	s10 =	ssub.s32 $0x2, s10  }
0xb: {  	s13 =	smul.u32 $0x2740, s0;
	s2 =	sor.u32 s0, s2;
	s31 =	sshrl.u32 s10, $0x1  }
0xc: {  	s7 =	smul.u32 $0x4F0, s2;
	s2 =	rddreg [dreg:$0x4];
	s12 =	sadd.s32 s11, s12  }
0xd: {  	_ =	strace $0x80000047;
	s15 =	sadd.s32 s13, s15;
	s12 =	sshrl.u32 s12, $0x3  }
0xe: {  	s30 =	sshrl.u32 s15, $0x3;
	s15 =	ssub.s32 s10, s31;
	s10 =	sadd.s32 s13, s4  }
0xf: {  	s14 =	sadd.s32 s7, s9;
	s7 =	sadd.s32 $0x29400, s9;
	s16 =	sadd.s32 s12, s9  }
0x10: {  	s17 =	sadd.s32 s30, s9;
	s9 =	sadd.s32 s11, s3;
	s15 =	smax.u32 s15, $0x1  }
0x11: {  	s11 =	sadd.s32 $0x1F000, s14;
	s12 =	sadd.s32 $0x15200, s14;
	s13 =	sadd.s32 $0x2A800, s16  }
0x12: {  	s14 =	sadd.s32 $0x51C00, s17;
	s16 =	simm.s32 $0x6F00;
	s17 =	simm.s32 $0x2  }
.LBB2_1:
0x13: {  	[tilespmem:s16], [sflag:$0x2] =	stream.linear.gather [hbm4b:s7+s5], $0x9D00, $0x38;
	[tilespmem:$0x1FF80] =	vst v63  }
0x14: {  	_ =	swait.ge [sflag:s17], $0x9D00  }
0x15: {  	[sflag:s17] =	ssyncset.done $0x0  }
0x16: {  	[sflag:s17] =	ssyncadd.s32 $0xFFFF6300  }
0x17: {  	[spmem:s9] =	stream.linear.scatter [tilespmem:s16], [sflag:$0x2], $0x9D00, $0x38;
	[tilespmem:$0x1FF80] =	vst v63  }
0x18: {  	_ =	swait.ge [sflag:s17], $0x9D00  }
0x19: {  	[sflag:s17] =	ssyncset.done $0x0  }
0x1a: {  	[sflag:s17] =	ssyncadd.s32 $0xFFFF6300  }
0x1b: {  	[tilespmem:s18], [sflag:$0x2] =	stream.linear.gather [hbm4b:s1+s5], $0x800, $0x38;
	[tilespmem:$0x1FF80] =	vst v63  }
0x1c: {  	_ =	swait.ge [sflag:s17], $0x800  }
0x1d: {  	[sflag:s17] =	ssyncset.done $0x0  }
0x1e: {  	[sflag:s17] =	ssyncadd.s32 $0xFFFFF800  }
0x1f: {  	[tilespmem:s19], [sflag:$0x2] =	stream.linear.gather [hbm4b:s8+s5], $0x2740, $0x38;
	[tilespmem:$0x1FF80] =	vst v63  }
0x20: {  	_ =	swait.ge [sflag:s17], $0x2740  }
0x21: {  	[sflag:s17] =	ssyncset.done $0x0  }
0x22: {  	[sflag:s17] =	ssyncadd.s32 $0xFFFFD8C0  }
0x23: {  	[spmem:s10] =	stream.linear.scatter [tilespmem:s19], [sflag:$0x2], $0x2740, $0x38;
	[tilespmem:$0x1FF80] =	vst v63  }
0x24: {  	_ =	swait.ge [sflag:s17], $0x2740  }
0x25: {  	[sflag:s17] =	ssyncset.done $0x0  }
0x26: {  	[sflag:s17] =	ssyncadd.s32 $0xFFFFD8C0  }
0x27: {  	[tilespmem:s5], [sflag:$0x2] =	stream.linear.gather [hbm4b:s11+s5], $0x2780, $0x38;
	[tilespmem:$0x1FF80] =	vst v63  }
0x28: {  	_ =	swait.ge [sflag:s17], $0x2780  }
0x29: {  	[sflag:s17] =	ssyncset.done $0x0  }
0x2a: {  	[sflag:s17] =	ssyncadd.s32 $0xFFFFD880  }
0x2b: {  	[tilespmem:s20], [sflag:$0x2] =	stream.linear.gather [hbm4b:s12+s5], $0x2780, $0x38;
	[tilespmem:$0x1FF80] =	vst v63  }
0x2c: {  	_ =	swait.ge [sflag:s17], $0x2780  }
0x2d: {  	[sflag:s17] =	ssyncset.done $0x0  }
0x2e: {  	[sflag:s17] =	ssyncadd.s32 $0xFFFFD880  }
0x2f: {  	s25 =	simm.s32 $0x0;
	[bflag:$0x0] =	sbarrier.arrive $0xFFFF  }
0x30: {  	[tilespmem:s22], [sflag:$0x1] =	stream.indirect.gather [hbm4b:s6+s21], $0x40, s25, s21, $0xb8;
	[tilespmem:$0x1FF80] =	vst v63  }
0x31: {  	_ =	swait.ge [sflag:s23], $0x2000  }
0x32: {  	[sflag:s23] =	ssyncset.done $0x0  }
0x33: {  	s31 =	simm.s32 $0x2780;
	[sflag:s23] =	ssyncadd.s32 $0xFFFFE000  }
0x34: {  	[spmem:s3] =	stream.indirect.scatter.add.f32 [tilespmem:s22], [sflag:$0x2], $0x40, s31, s21, $0xb8;
	[tilespmem:$0x1FF80] =	vst v63  }
0x35: {  	_ =	swait.ge [sflag:s17], $0x2000  }
0x36: {  	[sflag:s17] =	ssyncset.done $0x0  }
0x37: {  	[sflag:s17] =	ssyncadd.s32 $0xFFFFE000  }
0x38: {  	[spmem:s4] =	stream.indirect.scatter.add.f32 [tilespmem:s18], [sflag:$0x2], $0x10, s31, s21, $0xb8;
	[tilespmem:$0x1FF80] =	vst v63  }
0x39: {  	_ =	swait.ge [sflag:s17], $0x800  }
0x3a: {  	s26 =	simm.s32 $0x400;
	s25 =	simm.s32 $0x200;
	[sflag:s17] =	ssyncset.done $0x0  }
.LBB2_2:
0x3b: {  	s28 =	sshra.s32 s25, $0x2  }
0x3c: {  	[sflag:s17] =	ssyncadd.s32 $0xFFFFF800;
	s25 =	smov.u32 s26;
	s29 =	sadd.s32 $0x200, s26  }
0x3d: {  	[tilespmem:s22], [sflag:$0x1] =	stream.indirect.gather [hbm4b:s6+s21], $0x40, s28, s21, $0xb8;
	[tilespmem:$0x1FF80] =	vst v63  }
0x3e: {  	p0 =	sne.s32 s26, $0x9C00;
	_ =	swait.ge [sflag:s23], $0x2000  }
0x3f: {  	[sflag:s23] =	ssyncset.done $0x0  }
0x40: {  	s26 =	sadd.s32 $0x2780, s28;
	[sflag:s23] =	ssyncadd.s32 $0xFFFFE000  }
0x41: {  	[spmem:s3] =	stream.indirect.scatter.add.f32 [tilespmem:s22], [sflag:$0x2], $0x40, s26, s21, $0xb8;
	[tilespmem:$0x1FF80] =	vst v63  }
0x42: {  	_ =	swait.ge [sflag:s17], $0x2000  }
.Ltmp0:
0x43: {  	[sflag:s17] =	ssyncset.done $0x0;
	(pc) =	sbr.rel @p0 .LBB2_2-.Ltmp0, $4  }
0x44: {  	[sflag:s17] =	ssyncadd.s32 $0xFFFFE000  }
0x45: {  	[spmem:s4] =	stream.indirect.scatter.add.f32 [tilespmem:s18], [sflag:$0x2], $0x10, s26, s21, $0xb8;
	[tilespmem:$0x1FF80] =	vst v63  }
0x46: {  	_ =	swait.ge [sflag:s17], $0x800  }
0x47: {  	s26 =	smov.u32 s29;
	[sflag:s17] =	ssyncset.done $0x0  }
0x48: {  	s25 =	sshra.s32 s25, $0x2;
	[sflag:s17] =	ssyncadd.s32 $0xFFFFF800  }
0x49: {  	[tilespmem:s22], [sflag:$0x1] =	stream.indirect.gather [hbm4b:s6+s21], $0x40, s25, s21, $0xb8;
	[tilespmem:$0x1FF80] =	vst v63  }
0x4a: {  	_ =	swait.ge [sflag:s23], $0x2000  }
0x4b: {  	[sflag:s23] =	ssyncset.done $0x0  }
0x4c: {  	s25 =	sadd.s32 $0x2780, s25;
	[sflag:s23] =	ssyncadd.s32 $0xFFFFE000  }
0x4d: {  	[spmem:s3] =	stream.indirect.scatter.add.f32 [tilespmem:s22], [sflag:$0x2], $0x40, s25, s21, $0xb8;
	[tilespmem:$0x1FF80] =	vst v63  }
0x4e: {  	_ =	swait.ge [sflag:s17], $0x2000  }
0x4f: {  	[sflag:s17] =	ssyncset.done $0x0  }
0x50: {  	[sflag:s17] =	ssyncadd.s32 $0xFFFFE000  }
0x51: {  	[spmem:s4] =	stream.indirect.scatter.add.f32 [tilespmem:s18], [sflag:$0x2], $0x10, s25, s21, $0xb8;
	[tilespmem:$0x1FF80] =	vst v63  }
0x52: {  	_ =	swait.ge [sflag:s17], $0x800  }
0x53: {  	[sflag:s17] =	ssyncset.done $0x0  }
0x54: {  	[sflag:s17] =	ssyncadd.s32 $0xFFFFF800  }
0x55: {  	[bflag:$0x0] =	sbarrier.arrive $0xFFFF  }
0x56: {  	[tilespmem:s16], [sflag:$0x2] =	stream.linear.gather [spmem:s9], $0x9D00, $0x38;
	[tilespmem:$0x1FF80] =	vst v63  }
0x57: {  	_ =	swait.ge [sflag:s17], $0x9D00  }
0x58: {  	[sflag:s17] =	ssyncset.done $0x0  }
0x59: {  	[sflag:s17] =	ssyncadd.s32 $0xFFFF6300  }
0x5a: {  	[hbm4b:s13+s5] =	stream.linear.scatter [tilespmem:s16], [sflag:$0x2], $0x9D00, $0x38;
	[tilespmem:$0x1FF80] =	vst v63  }
0x5b: {  	_ =	swait.ge [sflag:s17], $0x9D00  }
0x5c: {  	[sflag:s17] =	ssyncset.done $0x0  }
0x5d: {  	[sflag:s17] =	ssyncadd.s32 $0xFFFF6300  }
0x5e: {  	[tilespmem:s19], [sflag:$0x2] =	stream.linear.gather [spmem:s10], $0x2740, $0x38;
	[tilespmem:$0x1FF80] =	vst v63  }
0x5f: {  	s24 =	sadd.s32 $0x1, s24;
	_ =	swait.ge [sflag:s17], $0x2740  }
0x60: {  	p0 =	sne.s32 s24, s15;
	[sflag:s17] =	ssyncset.done $0x0  }
.Ltmp1:
0x61: {  	[sflag:s17] =	ssyncadd.s32 $0xFFFFD8C0;
	(pc) =	sbr.rel @p0 .LBB2_1-.Ltmp1, $4  }
0x62: {  	[hbm4b:s14+s5] =	stream.linear.scatter [tilespmem:s19], [sflag:$0x2], $0x2740, $0x38;
	[tilespmem:$0x1FF80] =	vst v63  }
0x63: {  	_ =	swait.ge [sflag:s17], $0x2740  }
0x64: {  	[sflag:s17] =	ssyncset.done $0x0  }
0x65: {  	[sflag:s17] =	ssyncadd.s32 $0xFFFFD8C0  }
0x66: {  	_ =	sfence.sel $0x180000  }
0x67: {  	[bflag:$0x0] =	sbarrier.arrive $0xFFFF  }
0x68: {  	p0 =	sne.s32 s0, $0x0;
	_ =	strace $0x90000047  }
0x69: {  	s0 =	sadd.s32 @!p0 $0x100000, s2;
	[bflag:$0x2] =	sbarrier.arrive $0xFFFF  }
0x6a: {  	[sflag:s0] =	ssyncadd.tile.s32 @!p0 $0x1;
	_ =	shalt  }
.Lfunc_end2:
_tile_overlayer_lowered:
.L_overlay_start_2:
0x6b: {  	(tag) =	ssettag $0x2  }
0x6c: {  	s0 =	rddreg [dreg:$0x0];
	s2 =	stileid.u32  }
0x6d: {  	s1 =	rddreg [dreg:$0x1];
	p0 =	sne.s32 s2, $0x0  }
0x6e: {  	s3 =	rddreg [dreg:$0x2];
	[bflag:$0x3] =	sbarrier.arrive $0xFFFF;
	s2 =	simm.s32 @!p0 $0x1C02  }
0x6f: {  	[timem:s3], [sflag:s2] =	dma.local @!p0 [hbm:s0], s1  }
0x70: {  	s0 =	simm.s32 @!p0 $0x2  }
0x71: {  	_ =	swait.ge @!p0 [sflag:s0], s1  }
0x72: {  	s1 =	ssub.s32 @!p0 $0x0, s1;
	[sflag:s0] =	ssyncset.done @!p0 $0x0  }
0x73: {  	[sflag:s0] =	ssyncadd.s32 @!p0 s1  }
0x74: {  	[bflag:$0x3] =	sbarrier.arrive $0xFFFF  }
0x75: {  	_ =	shalt  }

</sc_bundles>
